<compile_context>
chip_gen: v7x
topology: tpu7x:2x2x1
jax: 0.10.2.dev20260603
libtpu: 0.0.44.dev20260713+nightly
codegen_flags: <defaults>
</compile_context>

<pallas_src>
import jax
import jax.numpy as jnp
from jax.experimental import pallas as pl
from jax.experimental.pallas import tpu as pltpu

N_BOXES = 20000
B = 256
T = 80
P = T * B
NMS_THRESH = 0.5


def _nms_tiles_kernel(xr_ref, keep_ref, ident_ref, pk_ref):
    ident_ref[...] = (
        jax.lax.broadcasted_iota(jnp.int32, (B, B), 0)
        == jax.lax.broadcasted_iota(jnp.int32, (B, B), 1)
    ).astype(jnp.float32)
    pk_ref[...] = jnp.zeros((4, T + 1, 1, B), jnp.float32)

    tri = (
        jax.lax.broadcasted_iota(jnp.int32, (B, B), 0)
        < jax.lax.broadcasted_iota(jnp.int32, (B, B), 1)
    )
    ltf = jnp.where(
        jax.lax.broadcasted_iota(jnp.int32, (B, B), 1)
        < jax.lax.broadcasted_iota(jnp.int32, (B, B), 0), 1.0, 0.0)
    lane = jax.lax.broadcasted_iota(jnp.int32, (1, B), 1).astype(jnp.float32)

    def trans(row):
        return jnp.sum(ident_ref[...] * row, axis=1, keepdims=True)

    def trans_back(col):
        return jnp.sum(ident_ref[...] * col, axis=0, keepdims=True)

    def tile_body(t, m):
        rx1 = xr_ref[0, t]
        ry1 = xr_ref[1, t]
        rx2 = xr_ref[2, t]
        ry2 = xr_ref[3, t]
        cx1 = trans(rx1)
        cy1 = trans(ry1)
        cx2 = trans(rx2)
        cy2 = trans(ry2)
        ra = (rx2 - rx1) * (ry2 - ry1)
        ca = (cx2 - cx1) * (cy2 - cy1)

        def sweep(p, sup):
            px1 = pk_ref[0, p]
            py1 = pk_ref[1, p]
            px2 = pk_ref[2, p]
            py2 = pk_ref[3, p]
            pa = (px2 - px1) * (py2 - py1)
            xx1 = jnp.maximum(px1, cx1)
            yy1 = jnp.maximum(py1, cy1)
            xx2 = jnp.minimum(px2, cx2)
            yy2 = jnp.minimum(py2, cy2)
            w = jnp.maximum(1e-10, xx2 - xx1)
            h = jnp.maximum(1e-10, yy2 - yy1)
            inter = w * h
            iou = inter / (pa + ca - inter + 1e-14)
            s = jnp.max(jnp.where(iou > NMS_THRESH, 1.0, 0.0),
                        axis=1, keepdims=True)
            return jnp.maximum(sup, s)

        n_blocks = (m + (B - 1)) // B
        sup_col = jax.lax.fori_loop(0, n_blocks, sweep,
                                    jnp.zeros((B, 1), jnp.float32))
        a_row = trans_back(1.0 - sup_col)

        xx1 = jnp.maximum(cx1, rx1)
        yy1 = jnp.maximum(cy1, ry1)
        xx2 = jnp.minimum(cx2, rx2)
        yy2 = jnp.minimum(cy2, ry2)
        w = jnp.maximum(1e-10, xx2 - xx1)
        h = jnp.maximum(1e-10, yy2 - yy1)
        inter = w * h
        iou = inter / (ca + ra - inter + 1e-14)
        overf = jnp.where((iou > NMS_THRESH) & tri, 1.0, 0.0)

        def wcond(carry):
            return carry[2]

        def wbody(carry):
            kc, _, _ = carry
            sup = jnp.max(overf * kc, axis=0, keepdims=True)
            nrow = a_row * (1.0 - sup)
            nkc = trans(nrow)
            changed = jnp.sum(jnp.abs(nkc - kc)) > 0.0
            return (nkc, nrow, changed)

        kc, krow, _ = jax.lax.while_loop(
            wcond, wbody, (trans(a_row), a_row, jnp.bool_(True)))
        keep_ref[t] = krow

        excl_col = jnp.sum(ltf * krow, axis=1, keepdims=True)
        g_col = excl_col + jnp.float32(m)
        d0 = m // B

        def scatter_to(d, dst_off):
            q = jnp.where((g_col - jnp.float32(dst_off) == lane) & (kc > 0.5),
                          1.0, 0.0)
            pk_ref[0, d] = pk_ref[0, d] + jnp.sum(q * cx1, axis=0, keepdims=True)
            pk_ref[1, d] = pk_ref[1, d] + jnp.sum(q * cy1, axis=0, keepdims=True)
            pk_ref[2, d] = pk_ref[2, d] + jnp.sum(q * cx2, axis=0, keepdims=True)
            pk_ref[3, d] = pk_ref[3, d] + jnp.sum(q * cy2, axis=0, keepdims=True)

        scatter_to(d0, d0 * B)
        scatter_to(d0 + 1, (d0 + 1) * B)
        k_cnt = jnp.sum(krow).astype(jnp.int32)
        return m + k_cnt

    jax.lax.fori_loop(0, T, tile_body, jnp.int32(0))


def _run_nms(xr):
    return pl.pallas_call(
        _nms_tiles_kernel,
        out_shape=jax.ShapeDtypeStruct((T, 1, B), jnp.float32),
        scratch_shapes=[pltpu.VMEM((B, B), jnp.float32),
                        pltpu.VMEM((4, T + 1, 1, B), jnp.float32)],
    )(xr)


def kernel(boxes, scores):
    xy1 = boxes[:, :2] - boxes[:, 2:] * 0.5
    xy2 = boxes[:, :2] + boxes[:, 2:] * 0.5
    boxes_xyxy = jnp.concatenate([xy1, xy2], axis=-1)
    order = jnp.argsort(-scores)
    b_sorted = boxes_xyxy[order]
    bp = jnp.zeros((P, 4), jnp.float32).at[:N_BOXES].set(b_sorted)
    xr = bp.T.reshape(4, T, 1, B)
    keep_tiles = _run_nms(xr)
    keep_sorted = keep_tiles.reshape(P)[:N_BOXES]
    kf = jnp.zeros((N_BOXES,), jnp.float32).at[order].set(keep_sorted)
    out = jnp.concatenate(
        [boxes_xyxy * kf[:, None], (scores * kf)[:, None]], axis=-1)
    return out

# --- scband reference (transcript-rebuilt; emitter-appended) ---
"""Pipeline reference for scband-yolov3-25314537243282 (READ-ONLY COPY).

The authoritative reference and input builder live on the scoring server;
editing this copy changes nothing except your own understanding.
"""

import jax, jax.numpy as jnp
import numpy as np

NMS_THRESH = 0.5
N_BOXES = 20000


def _nms_keep(boxes_xyxy, scores, thresh):
    # Faithful JAX translation of YOLOv3.nms greedy suppression loop.
    n = scores.shape[0]
    order = jnp.argsort(-scores)  # descending score order, mirrors argsort()[::-1]
    b = boxes_xyxy[order]
    x1 = b[:, 0]
    y1 = b[:, 1]
    x2 = b[:, 2]
    y2 = b[:, 3]
    areas = (x2 - x1) * (y2 - y1)
    idx = jnp.arange(n)

    def body(i, keep):
        xx1 = jnp.maximum(x1[i], x1)
        yy1 = jnp.maximum(y1[i], y1)
        xx2 = jnp.minimum(x2[i], x2)
        yy2 = jnp.minimum(y2[i], y2)
        w = jnp.maximum(1e-10, xx2 - xx1)
        h = jnp.maximum(1e-10, yy2 - yy1)
        inter = w * h
        iou = inter / (areas[i] + areas - inter + 1e-14)
        # box i only suppresses later-ordered boxes, and only if i itself survives
        suppress = keep[i] & (iou > thresh) & (idx > i)
        return keep & (~suppress)

    keep_sorted = jax.lax.fori_loop(0, n, body, jnp.ones((n,), dtype=bool))
    # map keep decisions back to original box order
    keep = jnp.zeros((n,), dtype=bool).at[order].set(keep_sorted)
    return keep


def setup_inputs(seed: int = 0) -> dict:
    key = jax.random.key(seed)
    k1, k2 = jax.random.split(key, 2)
    boxes = jax.random.uniform(k1, (N_BOXES, 4), dtype=jnp.float32)  # cxcywh
    scores = jax.random.uniform(k2, (N_BOXES,), dtype=jnp.float32)
    return {"boxes": boxes, "scores": scores}


def reference(boxes, scores):
    # cxcywh -> x1y1x2y2, same as the numpy preamble in YOLOv3.nms
    xy1 = boxes[:, :2] - boxes[:, 2:] * 0.5
    xy2 = boxes[:, :2] + boxes[:, 2:] * 0.5
    boxes_xyxy = jnp.concatenate([xy1, xy2], axis=-1)
    keep = jax.lax.stop_gradient(_nms_keep(boxes_xyxy, scores, NMS_THRESH))
    kf = keep.astype(boxes.dtype)
    # static-shape output: suppressed entries zeroed; last column is kept score
    out = jnp.concatenate([boxes_xyxy * kf[:, None], (scores * kf)[:, None]], axis=-1)
    return out

if __name__ == "__main__":
    import jax
    _d = setup_inputs()
    print(jax.jit(kernel)(*tuple(_d.values())))

</pallas_src>

<mosaic_0001>
module attributes {stable_mosaic.version = 14 : i64} {
  func.func @_nms_tiles_kernel(%arg0: memref<4x80x1x256xf32, #tpu.memory_space<vmem>>, %arg1: memref<80x1x256xf32, #tpu.memory_space<vmem>>, %arg2: memref<256x256xf32, #tpu.memory_space<vmem>>, %arg3: memref<4x81x1x256xf32, #tpu.memory_space<vmem>>) attributes {dimension_semantics = [], scalar_prefetch = 0 : i64, scratch_operands = 2 : i64, tpu.core_type = #tpu.core_type<tc>} {
    %iota3A = tpu.iota {dimensions = array<i32: 0>} : vector<256x256xi32>
    %iota3A_0 = tpu.iota {dimensions = array<i32: 1>} : vector<256x256xi32>
    %eq3A = arith.cmpi eq, %iota3A, %iota3A_0 : vector<256x256xi32>
    %convert_element_type3A = arith.extui %eq3A : vector<256x256xi1> to vector<256x256xi32>
    %convert_element_type3A_1 = arith.sitofp %convert_element_type3A : vector<256x256xi32> to vector<256x256xf32>
    %swap3A = arith.constant 0 : index
    %swap3A_2 = arith.constant 0 : index
    %swap3A_3 = vector.load %arg2[%swap3A, %swap3A_2] : memref<256x256xf32, #tpu.memory_space<vmem>>, vector<256x256xf32>
    tpu.vector_store %arg2[%swap3A, %swap3A_2], %convert_element_type3A_1 {strides = array<i32>} : memref<256x256xf32, #tpu.memory_space<vmem>>, vector<256x256xf32>,
    %broadcast_in_dim3A = arith.constant 0.000000e+00 : f32
    %broadcast_in_dim3A_4 = vector.broadcast %broadcast_in_dim3A : f32 to vector<4x81x1x256xf32>
    %swap3A_5 = arith.constant 0 : index
    %swap3A_6 = arith.constant 0 : index
    %swap3A_7 = arith.constant 0 : index
    %swap3A_8 = arith.constant 0 : index
    %swap3A_9 = vector.load %arg3[%swap3A_5, %swap3A_6, %swap3A_7, %swap3A_8] : memref<4x81x1x256xf32, #tpu.memory_space<vmem>>, vector<4x81x1x256xf32>
    tpu.vector_store %arg3[%swap3A_5, %swap3A_6, %swap3A_7, %swap3A_8], %broadcast_in_dim3A_4 {strides = array<i32>} : memref<4x81x1x256xf32, #tpu.memory_space<vmem>>, vector<4x81x1x256xf32>,
    %iota3A_10 = tpu.iota {dimensions = array<i32: 0>} : vector<256x256xi32>
    %iota3A_11 = tpu.iota {dimensions = array<i32: 1>} : vector<256x256xi32>
    %lt3A = arith.cmpi slt, %iota3A_10, %iota3A_11 : vector<256x256xi32>
    %iota3A_12 = tpu.iota {dimensions = array<i32: 1>} : vector<256x256xi32>
    %iota3A_13 = tpu.iota {dimensions = array<i32: 0>} : vector<256x256xi32>
    %lt3A_14 = arith.cmpi slt, %iota3A_12, %iota3A_13 : vector<256x256xi32>
    %jit3A = arith.constant 1.000000e+00 : f32
    %jit3A_15 = arith.constant 0.000000e+00 : f32
    %broadcast_in_dim3A_16 = vector.broadcast %jit3A : f32 to vector<256x256xf32>
    %broadcast_in_dim3A_17 = vector.broadcast %jit3A_15 : f32 to vector<256x256xf32>
    %select_n3A = arith.select %lt3A_14, %broadcast_in_dim3A_16, %broadcast_in_dim3A_17 : vector<256x256xi1>, vector<256x256xf32>
    %iota3A_18 = tpu.iota {dimensions = array<i32: 1>} : vector<1x256xi32>
    %convert_element_type3A_19 = arith.sitofp %iota3A_18 : vector<1x256xi32> to vector<1x256xf32>
    %scan3A = arith.constant 0 : i32
    %scan3A_20 = arith.constant 0 : i32
    %scan3A_21 = arith.constant 80 : i32
    %scan3A_22 = arith.addi %scan3A_20, %scan3A_21 : i32
    %scan3A_23 = arith.constant 1 : i32
    %scan3A_24 = scf.for %scan3A_26 = %scan3A_20 to %scan3A_22 step %scan3A_23 iter_args(%scan3A_27 = %scan3A) -> (i32)  : i32 {
      %get3A = arith.constant 0 : index
      %get3A_28 = arith.index_cast %scan3A_26 : i32 to index
      %get3A_29 = arith.constant 0 : index
      %get3A_30 = arith.constant 0 : index
      %get3A_31 = vector.load %arg0[%get3A, %get3A_28, %get3A_29, %get3A_30] : memref<4x80x1x256xf32, #tpu.memory_space<vmem>>, vector<1x1x1x256xf32>
      %get3A_32 = vector.shape_cast %get3A_31 : vector<1x1x1x256xf32> to vector<1x256xf32>
      %get3A_33 = arith.constant 1 : index
      %get3A_34 = arith.index_cast %scan3A_26 : i32 to index
      %get3A_35 = arith.constant 0 : index
      %get3A_36 = arith.constant 0 : index
      %get3A_37 = vector.load %arg0[%get3A_33, %get3A_34, %get3A_35, %get3A_36] : memref<4x80x1x256xf32, #tpu.memory_space<vmem>>, vector<1x1x1x256xf32>
      %get3A_38 = vector.shape_cast %get3A_37 : vector<1x1x1x256xf32> to vector<1x256xf32>
      %get3A_39 = arith.constant 2 : index
      %get3A_40 = arith.index_cast %scan3A_26 : i32 to index
      %get3A_41 = arith.constant 0 : index
      %get3A_42 = arith.constant 0 : index
      %get3A_43 = vector.load %arg0[%get3A_39, %get3A_40, %get3A_41, %get3A_42] : memref<4x80x1x256xf32, #tpu.memory_space<vmem>>, vector<1x1x1x256xf32>
      %get3A_44 = vector.shape_cast %get3A_43 : vector<1x1x1x256xf32> to vector<1x256xf32>
      %get3A_45 = arith.constant 3 : index
      %get3A_46 = arith.index_cast %scan3A_26 : i32 to index
      %get3A_47 = arith.constant 0 : index
      %get3A_48 = arith.constant 0 : index
      %get3A_49 = vector.load %arg0[%get3A_45, %get3A_46, %get3A_47, %get3A_48] : memref<4x80x1x256xf32, #tpu.memory_space<vmem>>, vector<1x1x1x256xf32>
      %get3A_50 = vector.shape_cast %get3A_49 : vector<1x1x1x256xf32> to vector<1x256xf32>
      %get3A_51 = arith.constant 0 : index
      %get3A_52 = arith.constant 0 : index
      %get3A_53 = vector.load %arg2[%get3A_51, %get3A_52] : memref<256x256xf32, #tpu.memory_space<vmem>>, vector<256x256xf32>
      %mul3A = vector.broadcast %get3A_32 : vector<1x256xf32> to vector<256x256xf32>
      %mul3A_54 = arith.mulf %get3A_53, %mul3A : vector<256x256xf32>
      %reduce_sum3A = arith.constant dense<0.000000e+00> : vector<256xf32>
      %reduce_sum3A_55 = vector.multi_reduction <add>, %mul3A_54, %reduce_sum3A [1] : vector<256x256xf32> to vector<256xf32>
      %broadcast_in_dim3A_56 = vector.shape_cast %reduce_sum3A_55 : vector<256xf32> to vector<256x1xf32>
      %get3A_57 = arith.constant 0 : index
      %get3A_58 = arith.constant 0 : index
      %get3A_59 = vector.load %arg2[%get3A_57, %get3A_58] : memref<256x256xf32, #tpu.memory_space<vmem>>, vector<256x256xf32>
      %mul3A_60 = vector.broadcast %get3A_38 : vector<1x256xf32> to vector<256x256xf32>
      %mul3A_61 = arith.mulf %get3A_59, %mul3A_60 : vector<256x256xf32>
      %reduce_sum3A_62 = arith.constant dense<0.000000e+00> : vector<256xf32>
      %reduce_sum3A_63 = vector.multi_reduction <add>, %mul3A_61, %reduce_sum3A_62 [1] : vector<256x256xf32> to vector<256xf32>
      %broadcast_in_dim3A_64 = vector.shape_cast %reduce_sum3A_63 : vector<256xf32> to vector<256x1xf32>
      %get3A_65 = arith.constant 0 : index
      %get3A_66 = arith.constant 0 : index
      %get3A_67 = vector.load %arg2[%get3A_65, %get3A_66] : memref<256x256xf32, #tpu.memory_space<vmem>>, vector<256x256xf32>
      %mul3A_68 = vector.broadcast %get3A_44 : vector<1x256xf32> to vector<256x256xf32>
      %mul3A_69 = arith.mulf %get3A_67, %mul3A_68 : vector<256x256xf32>
      %reduce_sum3A_70 = arith.constant dense<0.000000e+00> : vector<256xf32>
      %reduce_sum3A_71 = vector.multi_reduction <add>, %mul3A_69, %reduce_sum3A_70 [1] : vector<256x256xf32> to vector<256xf32>
      %broadcast_in_dim3A_72 = vector.shape_cast %reduce_sum3A_71 : vector<256xf32> to vector<256x1xf32>
      %get3A_73 = arith.constant 0 : index
      %get3A_74 = arith.constant 0 : index
      %get3A_75 = vector.load %arg2[%get3A_73, %get3A_74] : memref<256x256xf32, #tpu.memory_space<vmem>>, vector<256x256xf32>
      %mul3A_76 = vector.broadcast %get3A_50 : vector<1x256xf32> to vector<256x256xf32>
      %mul3A_77 = arith.mulf %get3A_75, %mul3A_76 : vector<256x256xf32>
      %reduce_sum3A_78 = arith.constant dense<0.000000e+00> : vector<256xf32>
      %reduce_sum3A_79 = vector.multi_reduction <add>, %mul3A_77, %reduce_sum3A_78 [1] : vector<256x256xf32> to vector<256xf32>
      %broadcast_in_dim3A_80 = vector.shape_cast %reduce_sum3A_79 : vector<256xf32> to vector<256x1xf32>
      %sub3A = arith.subf %get3A_44, %get3A_32 : vector<1x256xf32>
      %sub3A_81 = arith.subf %get3A_50, %get3A_38 : vector<1x256xf32>
      %mul3A_82 = arith.mulf %sub3A, %sub3A_81 : vector<1x256xf32>
      %sub3A_83 = arith.subf %broadcast_in_dim3A_72, %broadcast_in_dim3A_56 : vector<256x1xf32>
      %sub3A_84 = arith.subf %broadcast_in_dim3A_80, %broadcast_in_dim3A_64 : vector<256x1xf32>
      %mul3A_85 = arith.mulf %sub3A_83, %sub3A_84 : vector<256x1xf32>
      %add3A = arith.constant 255 : i32
      %add3A_86 = arith.addi %scan3A_27, %add3A : i32
      %jit3A_87 = arith.constant 256 : i32
      %div3A = arith.divsi %add3A_86, %jit3A_87 : i32
      %sign3A = arith.constant 0 : i32
      %sign3A_88 = arith.cmpi sgt, %add3A_86, %sign3A : i32
      %sign3A_89 = arith.extui %sign3A_88 : i1 to i32
      %sign3A_90 = arith.constant 0 : i32
      %sign3A_91 = arith.cmpi slt, %add3A_86, %sign3A_90 : i32
      %sign3A_92 = arith.extui %sign3A_91 : i1 to i32
      %sign3A_93 = arith.subi %sign3A_89, %sign3A_92 : i32
      %sign3A_94 = arith.constant 0 : i32
      %sign3A_95 = arith.cmpi sgt, %jit3A_87, %sign3A_94 : i32
      %sign3A_96 = arith.extui %sign3A_95 : i1 to i32
      %sign3A_97 = arith.constant 0 : i32
      %sign3A_98 = arith.cmpi slt, %jit3A_87, %sign3A_97 : i32
      %sign3A_99 = arith.extui %sign3A_98 : i1 to i32
      %sign3A_100 = arith.subi %sign3A_96, %sign3A_99 : i32
      %ne3A = arith.cmpi ne, %sign3A_93, %sign3A_100 : i32
      %rem3A = arith.remsi %add3A_86, %jit3A_87 : i32
      %ne3A_101 = arith.constant 0 : i32
      %ne3A_102 = arith.cmpi ne, %rem3A, %ne3A_101 : i32
      %and3A = arith.andi %ne3A, %ne3A_102 : i1
      %sub3A_103 = arith.constant 1 : i32
      %sub3A_104 = arith.subi %div3A, %sub3A_103 : i32
      %select_n3A_105 = arith.select %and3A, %sub3A_104, %div3A : i32
      %broadcast_in_dim3A_106 = arith.constant 0.000000e+00 : f32
      %broadcast_in_dim3A_107 = vector.broadcast %broadcast_in_dim3A_106 : f32 to vector<256x1xf32>
      %while3A = arith.constant 0 : i32
      %while3A_108 = arith.subi %select_n3A_105, %while3A : i32
      %while3A_109 = arith.addi %while3A, %while3A_108 : i32
      %while3A_110 = arith.constant 1 : i32
      %while3A_111 = arith.divsi %while3A_108, %while3A_110 : i32
      %while3A_112 = arith.muli %while3A_111, %while3A_110 : i32
      %while3A_113 = arith.addi %while3A, %while3A_112 : i32
      %while3A_114 = arith.constant 1 : i32
      %while3A_115 = scf.for %while3A_411 = %while3A to %while3A_113 step %while3A_114 iter_args(%while3A_412 = %broadcast_in_dim3A_107) -> (vector<256x1xf32>)  : i32 {
        %get3A_413 = arith.constant 0 : index
        %get3A_414 = arith.index_cast %while3A_411 : i32 to index
        %get3A_415 = arith.constant 0 : index
        %get3A_416 = arith.constant 0 : index
        %get3A_417 = vector.load %arg3[%get3A_413, %get3A_414, %get3A_415, %get3A_416] : memref<4x81x1x256xf32, #tpu.memory_space<vmem>>, vector<1x1x1x256xf32>
        %get3A_418 = vector.shape_cast %get3A_417 : vector<1x1x1x256xf32> to vector<1x256xf32>
        %get3A_419 = arith.constant 1 : index
        %get3A_420 = arith.index_cast %while3A_411 : i32 to index
        %get3A_421 = arith.constant 0 : index
        %get3A_422 = arith.constant 0 : index
        %get3A_423 = vector.load %arg3[%get3A_419, %get3A_420, %get3A_421, %get3A_422] : memref<4x81x1x256xf32, #tpu.memory_space<vmem>>, vector<1x1x1x256xf32>
        %get3A_424 = vector.shape_cast %get3A_423 : vector<1x1x1x256xf32> to vector<1x256xf32>
        %get3A_425 = arith.constant 2 : index
        %get3A_426 = arith.index_cast %while3A_411 : i32 to index
        %get3A_427 = arith.constant 0 : index
        %get3A_428 = arith.constant 0 : index
        %get3A_429 = vector.load %arg3[%get3A_425, %get3A_426, %get3A_427, %get3A_428] : memref<4x81x1x256xf32, #tpu.memory_space<vmem>>, vector<1x1x1x256xf32>
        %get3A_430 = vector.shape_cast %get3A_429 : vector<1x1x1x256xf32> to vector<1x256xf32>
        %get3A_431 = arith.constant 3 : index
        %get3A_432 = arith.index_cast %while3A_411 : i32 to index
        %get3A_433 = arith.constant 0 : index
        %get3A_434 = arith.constant 0 : index
        %get3A_435 = vector.load %arg3[%get3A_431, %get3A_432, %get3A_433, %get3A_434] : memref<4x81x1x256xf32, #tpu.memory_space<vmem>>, vector<1x1x1x256xf32>
        %get3A_436 = vector.shape_cast %get3A_435 : vector<1x1x1x256xf32> to vector<1x256xf32>
        %sub3A_437 = arith.subf %get3A_430, %get3A_418 : vector<1x256xf32>
        %sub3A_438 = arith.subf %get3A_436, %get3A_424 : vector<1x256xf32>
        %mul3A_439 = arith.mulf %sub3A_437, %sub3A_438 : vector<1x256xf32>
        %max3A_440 = vector.broadcast %get3A_418 : vector<1x256xf32> to vector<256x256xf32>
        %max3A_441 = vector.broadcast %broadcast_in_dim3A_56 : vector<256x1xf32> to vector<256x256xf32>
        %max3A_442 = arith.maximumf %max3A_440, %max3A_441 : vector<256x256xf32>
        %max3A_443 = vector.broadcast %get3A_424 : vector<1x256xf32> to vector<256x256xf32>
        %max3A_444 = vector.broadcast %broadcast_in_dim3A_64 : vector<256x1xf32> to vector<256x256xf32>
        %max3A_445 = arith.maximumf %max3A_443, %max3A_444 : vector<256x256xf32>
        %min3A_446 = vector.broadcast %get3A_430 : vector<1x256xf32> to vector<256x256xf32>
        %min3A_447 = vector.broadcast %broadcast_in_dim3A_72 : vector<256x1xf32> to vector<256x256xf32>
        %min3A_448 = arith.minimumf %min3A_446, %min3A_447 : vector<256x256xf32>
        %min3A_449 = vector.broadcast %get3A_436 : vector<1x256xf32> to vector<256x256xf32>
        %min3A_450 = vector.broadcast %broadcast_in_dim3A_80 : vector<256x1xf32> to vector<256x256xf32>
        %min3A_451 = arith.minimumf %min3A_449, %min3A_450 : vector<256x256xf32>
        %sub3A_452 = arith.subf %min3A_448, %max3A_442 : vector<256x256xf32>
        %max3A_453 = arith.constant 1.000000e-10 : f32
        %max3A_454 = vector.broadcast %max3A_453 : f32 to vector<256x256xf32>
        %max3A_455 = arith.maximumf %max3A_454, %sub3A_452 : vector<256x256xf32>
        %sub3A_456 = arith.subf %min3A_451, %max3A_445 : vector<256x256xf32>
        %max3A_457 = arith.constant 1.000000e-10 : f32
        %max3A_458 = vector.broadcast %max3A_457 : f32 to vector<256x256xf32>
        %max3A_459 = arith.maximumf %max3A_458, %sub3A_456 : vector<256x256xf32>
        %mul3A_460 = arith.mulf %max3A_455, %max3A_459 : vector<256x256xf32>
        %add3A_461 = vector.broadcast %mul3A_439 : vector<1x256xf32> to vector<256x256xf32>
        %add3A_462 = vector.broadcast %mul3A_85 : vector<256x1xf32> to vector<256x256xf32>
        %add3A_463 = arith.addf %add3A_461, %add3A_462 : vector<256x256xf32>
        %sub3A_464 = arith.subf %add3A_463, %mul3A_460 : vector<256x256xf32>
        %add3A_465 = arith.constant 9.99999982E-15 : f32
        %add3A_466 = vector.broadcast %add3A_465 : f32 to vector<256x256xf32>
        %add3A_467 = arith.addf %sub3A_464, %add3A_466 : vector<256x256xf32>
        %div3A_468 = arith.divf %mul3A_460, %add3A_467 : vector<256x256xf32>
        %gt3A_469 = arith.constant 5.000000e-01 : f32
        %gt3A_470 = vector.broadcast %gt3A_469 : f32 to vector<256x256xf32>
        %gt3A_471 = arith.cmpf ogt, %div3A_468, %gt3A_470 : vector<256x256xf32>
        %jit3A_472 = arith.constant 1.000000e+00 : f32
        %jit3A_473 = arith.constant 0.000000e+00 : f32
        %broadcast_in_dim3A_474 = vector.broadcast %jit3A_472 : f32 to vector<256x256xf32>
        %broadcast_in_dim3A_475 = vector.broadcast %jit3A_473 : f32 to vector<256x256xf32>
        %select_n3A_476 = arith.select %gt3A_471, %broadcast_in_dim3A_474, %broadcast_in_dim3A_475 : vector<256x256xi1>, vector<256x256xf32>
        %reduce_max3A = arith.constant dense<0xFF800000> : vector<256xf32>
        %reduce_max3A_477 = vector.multi_reduction <maximumf>, %select_n3A_476, %reduce_max3A [1] : vector<256x256xf32> to vector<256xf32>
        %broadcast_in_dim3A_478 = vector.shape_cast %reduce_max3A_477 : vector<256xf32> to vector<256x1xf32>
        %max3A_479 = arith.maximumf %while3A_412, %broadcast_in_dim3A_478 : vector<256x1xf32>
        scf.yield %max3A_479 : vector<256x1xf32>
      }
      %while3A_116 = arith.constant 1 : i32
      %while3A_117 = scf.for %while3A_411 = %while3A_113 to %while3A_109 step %while3A_116 iter_args(%while3A_412 = %while3A_115) -> (vector<256x1xf32>)  : i32 {
        %get3A_413 = arith.constant 0 : index
        %get3A_414 = arith.index_cast %while3A_411 : i32 to index
        %get3A_415 = arith.constant 0 : index
        %get3A_416 = arith.constant 0 : index
        %get3A_417 = vector.load %arg3[%get3A_413, %get3A_414, %get3A_415, %get3A_416] : memref<4x81x1x256xf32, #tpu.memory_space<vmem>>, vector<1x1x1x256xf32>
        %get3A_418 = vector.shape_cast %get3A_417 : vector<1x1x1x256xf32> to vector<1x256xf32>
        %get3A_419 = arith.constant 1 : index
        %get3A_420 = arith.index_cast %while3A_411 : i32 to index
        %get3A_421 = arith.constant 0 : index
        %get3A_422 = arith.constant 0 : index
        %get3A_423 = vector.load %arg3[%get3A_419, %get3A_420, %get3A_421, %get3A_422] : memref<4x81x1x256xf32, #tpu.memory_space<vmem>>, vector<1x1x1x256xf32>
        %get3A_424 = vector.shape_cast %get3A_423 : vector<1x1x1x256xf32> to vector<1x256xf32>
        %get3A_425 = arith.constant 2 : index
        %get3A_426 = arith.index_cast %while3A_411 : i32 to index
        %get3A_427 = arith.constant 0 : index
        %get3A_428 = arith.constant 0 : index
        %get3A_429 = vector.load %arg3[%get3A_425, %get3A_426, %get3A_427, %get3A_428] : memref<4x81x1x256xf32, #tpu.memory_space<vmem>>, vector<1x1x1x256xf32>
        %get3A_430 = vector.shape_cast %get3A_429 : vector<1x1x1x256xf32> to vector<1x256xf32>
        %get3A_431 = arith.constant 3 : index
        %get3A_432 = arith.index_cast %while3A_411 : i32 to index
        %get3A_433 = arith.constant 0 : index
        %get3A_434 = arith.constant 0 : index
        %get3A_435 = vector.load %arg3[%get3A_431, %get3A_432, %get3A_433, %get3A_434] : memref<4x81x1x256xf32, #tpu.memory_space<vmem>>, vector<1x1x1x256xf32>
        %get3A_436 = vector.shape_cast %get3A_435 : vector<1x1x1x256xf32> to vector<1x256xf32>
        %sub3A_437 = arith.subf %get3A_430, %get3A_418 : vector<1x256xf32>
        %sub3A_438 = arith.subf %get3A_436, %get3A_424 : vector<1x256xf32>
        %mul3A_439 = arith.mulf %sub3A_437, %sub3A_438 : vector<1x256xf32>
        %max3A_440 = vector.broadcast %get3A_418 : vector<1x256xf32> to vector<256x256xf32>
        %max3A_441 = vector.broadcast %broadcast_in_dim3A_56 : vector<256x1xf32> to vector<256x256xf32>
        %max3A_442 = arith.maximumf %max3A_440, %max3A_441 : vector<256x256xf32>
        %max3A_443 = vector.broadcast %get3A_424 : vector<1x256xf32> to vector<256x256xf32>
        %max3A_444 = vector.broadcast %broadcast_in_dim3A_64 : vector<256x1xf32> to vector<256x256xf32>
        %max3A_445 = arith.maximumf %max3A_443, %max3A_444 : vector<256x256xf32>
        %min3A_446 = vector.broadcast %get3A_430 : vector<1x256xf32> to vector<256x256xf32>
        %min3A_447 = vector.broadcast %broadcast_in_dim3A_72 : vector<256x1xf32> to vector<256x256xf32>
        %min3A_448 = arith.minimumf %min3A_446, %min3A_447 : vector<256x256xf32>
        %min3A_449 = vector.broadcast %get3A_436 : vector<1x256xf32> to vector<256x256xf32>
        %min3A_450 = vector.broadcast %broadcast_in_dim3A_80 : vector<256x1xf32> to vector<256x256xf32>
        %min3A_451 = arith.minimumf %min3A_449, %min3A_450 : vector<256x256xf32>
        %sub3A_452 = arith.subf %min3A_448, %max3A_442 : vector<256x256xf32>
        %max3A_453 = arith.constant 1.000000e-10 : f32
        %max3A_454 = vector.broadcast %max3A_453 : f32 to vector<256x256xf32>
        %max3A_455 = arith.maximumf %max3A_454, %sub3A_452 : vector<256x256xf32>
        %sub3A_456 = arith.subf %min3A_451, %max3A_445 : vector<256x256xf32>
        %max3A_457 = arith.constant 1.000000e-10 : f32
        %max3A_458 = vector.broadcast %max3A_457 : f32 to vector<256x256xf32>
        %max3A_459 = arith.maximumf %max3A_458, %sub3A_456 : vector<256x256xf32>
        %mul3A_460 = arith.mulf %max3A_455, %max3A_459 : vector<256x256xf32>
        %add3A_461 = vector.broadcast %mul3A_439 : vector<1x256xf32> to vector<256x256xf32>
        %add3A_462 = vector.broadcast %mul3A_85 : vector<256x1xf32> to vector<256x256xf32>
        %add3A_463 = arith.addf %add3A_461, %add3A_462 : vector<256x256xf32>
        %sub3A_464 = arith.subf %add3A_463, %mul3A_460 : vector<256x256xf32>
        %add3A_465 = arith.constant 9.99999982E-15 : f32
        %add3A_466 = vector.broadcast %add3A_465 : f32 to vector<256x256xf32>
        %add3A_467 = arith.addf %sub3A_464, %add3A_466 : vector<256x256xf32>
        %div3A_468 = arith.divf %mul3A_460, %add3A_467 : vector<256x256xf32>
        %gt3A_469 = arith.constant 5.000000e-01 : f32
        %gt3A_470 = vector.broadcast %gt3A_469 : f32 to vector<256x256xf32>
        %gt3A_471 = arith.cmpf ogt, %div3A_468, %gt3A_470 : vector<256x256xf32>
        %jit3A_472 = arith.constant 1.000000e+00 : f32
        %jit3A_473 = arith.constant 0.000000e+00 : f32
        %broadcast_in_dim3A_474 = vector.broadcast %jit3A_472 : f32 to vector<256x256xf32>
        %broadcast_in_dim3A_475 = vector.broadcast %jit3A_473 : f32 to vector<256x256xf32>
        %select_n3A_476 = arith.select %gt3A_471, %broadcast_in_dim3A_474, %broadcast_in_dim3A_475 : vector<256x256xi1>, vector<256x256xf32>
        %reduce_max3A = arith.constant dense<0xFF800000> : vector<256xf32>
        %reduce_max3A_477 = vector.multi_reduction <maximumf>, %select_n3A_476, %reduce_max3A [1] : vector<256x256xf32> to vector<256xf32>
        %broadcast_in_dim3A_478 = vector.shape_cast %reduce_max3A_477 : vector<256xf32> to vector<256x1xf32>
        %max3A_479 = arith.maximumf %while3A_412, %broadcast_in_dim3A_478 : vector<256x1xf32>
        scf.yield %max3A_479 : vector<256x1xf32>
      }
      %sub3A_118 = arith.constant 1.000000e+00 : f32
      %sub3A_119 = vector.broadcast %sub3A_118 : f32 to vector<256x1xf32>
      %sub3A_120 = arith.subf %sub3A_119, %while3A_117 : vector<256x1xf32>
      %get3A_121 = arith.constant 0 : index
      %get3A_122 = arith.constant 0 : index
      %get3A_123 = vector.load %arg2[%get3A_121, %get3A_122] : memref<256x256xf32, #tpu.memory_space<vmem>>, vector<256x256xf32>
      %mul3A_124 = vector.broadcast %sub3A_120 : vector<256x1xf32> to vector<256x256xf32>
      %mul3A_125 = arith.mulf %get3A_123, %mul3A_124 : vector<256x256xf32>
      %reduce_sum3A_126 = arith.constant dense<0.000000e+00> : vector<256xf32>
      %reduce_sum3A_127 = vector.multi_reduction <add>, %mul3A_125, %reduce_sum3A_126 [0] : vector<256x256xf32> to vector<256xf32>
      %broadcast_in_dim3A_128 = vector.shape_cast %reduce_sum3A_127 : vector<256xf32> to vector<1x256xf32>
      %max3A = vector.broadcast %broadcast_in_dim3A_56 : vector<256x1xf32> to vector<256x256xf32>
      %max3A_129 = vector.broadcast %get3A_32 : vector<1x256xf32> to vector<256x256xf32>
      %max3A_130 = arith.maximumf %max3A, %max3A_129 : vector<256x256xf32>
      %max3A_131 = vector.broadcast %broadcast_in_dim3A_64 : vector<256x1xf32> to vector<256x256xf32>
      %max3A_132 = vector.broadcast %get3A_38 : vector<1x256xf32> to vector<256x256xf32>
      %max3A_133 = arith.maximumf %max3A_131, %max3A_132 : vector<256x256xf32>
      %min3A = vector.broadcast %broadcast_in_dim3A_72 : vector<256x1xf32> to vector<256x256xf32>
      %min3A_134 = vector.broadcast %get3A_44 : vector<1x256xf32> to vector<256x256xf32>
      %min3A_135 = arith.minimumf %min3A, %min3A_134 : vector<256x256xf32>
      %min3A_136 = vector.broadcast %broadcast_in_dim3A_80 : vector<256x1xf32> to vector<256x256xf32>
      %min3A_137 = vector.broadcast %get3A_50 : vector<1x256xf32> to vector<256x256xf32>
      %min3A_138 = arith.minimumf %min3A_136, %min3A_137 : vector<256x256xf32>
      %sub3A_139 = arith.subf %min3A_135, %max3A_130 : vector<256x256xf32>
      %max3A_140 = arith.constant 1.000000e-10 : f32
      %max3A_141 = vector.broadcast %max3A_140 : f32 to vector<256x256xf32>
      %max3A_142 = arith.maximumf %max3A_141, %sub3A_139 : vector<256x256xf32>
      %sub3A_143 = arith.subf %min3A_138, %max3A_133 : vector<256x256xf32>
      %max3A_144 = arith.constant 1.000000e-10 : f32
      %max3A_145 = vector.broadcast %max3A_144 : f32 to vector<256x256xf32>
      %max3A_146 = arith.maximumf %max3A_145, %sub3A_143 : vector<256x256xf32>
      %mul3A_147 = arith.mulf %max3A_142, %max3A_146 : vector<256x256xf32>
      %add3A_148 = vector.broadcast %mul3A_85 : vector<256x1xf32> to vector<256x256xf32>
      %add3A_149 = vector.broadcast %mul3A_82 : vector<1x256xf32> to vector<256x256xf32>
      %add3A_150 = arith.addf %add3A_148, %add3A_149 : vector<256x256xf32>
      %sub3A_151 = arith.subf %add3A_150, %mul3A_147 : vector<256x256xf32>
      %add3A_152 = arith.constant 9.99999982E-15 : f32
      %add3A_153 = vector.broadcast %add3A_152 : f32 to vector<256x256xf32>
      %add3A_154 = arith.addf %sub3A_151, %add3A_153 : vector<256x256xf32>
      %div3A_155 = arith.divf %mul3A_147, %add3A_154 : vector<256x256xf32>
      %gt3A = arith.constant 5.000000e-01 : f32
      %gt3A_156 = vector.broadcast %gt3A : f32 to vector<256x256xf32>
      %gt3A_157 = arith.cmpf ogt, %div3A_155, %gt3A_156 : vector<256x256xf32>
      %and3A_158 = arith.andi %gt3A_157, %lt3A : vector<256x256xi1>
      %jit3A_159 = arith.constant 1.000000e+00 : f32
      %jit3A_160 = arith.constant 0.000000e+00 : f32
      %broadcast_in_dim3A_161 = vector.broadcast %jit3A_159 : f32 to vector<256x256xf32>
      %broadcast_in_dim3A_162 = vector.broadcast %jit3A_160 : f32 to vector<256x256xf32>
      %select_n3A_163 = arith.select %and3A_158, %broadcast_in_dim3A_161, %broadcast_in_dim3A_162 : vector<256x256xi1>, vector<256x256xf32>
      %get3A_164 = arith.constant 0 : index
      %get3A_165 = arith.constant 0 : index
      %get3A_166 = vector.load %arg2[%get3A_164, %get3A_165] : memref<256x256xf32, #tpu.memory_space<vmem>>, vector<256x256xf32>
      %mul3A_167 = vector.broadcast %broadcast_in_dim3A_128 : vector<1x256xf32> to vector<256x256xf32>
      %mul3A_168 = arith.mulf %get3A_166, %mul3A_167 : vector<256x256xf32>
      %reduce_sum3A_169 = arith.constant dense<0.000000e+00> : vector<256xf32>
      %reduce_sum3A_170 = vector.multi_reduction <add>, %mul3A_168, %reduce_sum3A_169 [1] : vector<256x256xf32> to vector<256xf32>
      %broadcast_in_dim3A_171 = vector.shape_cast %reduce_sum3A_170 : vector<256xf32> to vector<256x1xf32>
      %while3A_172 = arith.constant true
      %while3A_173:3 = scf.while (%while3A_411 = %broadcast_in_dim3A_171, %while3A_412 = %broadcast_in_dim3A_128, %while3A_413 = %while3A_172) : (vector<256x1xf32>, vector<1x256xf32>, i1) -> (vector<256x1xf32>, vector<1x256xf32>, i1) {
        scf.condition(%while3A_413) %while3A_411, %while3A_412, %while3A_413 : vector<256x1xf32>, vector<1x256xf32>, i1
      } do {
      ^bb0(%while3A_411: vector<256x1xf32>, %while3A_412: vector<1x256xf32>, %while3A_413: i1):
        %mul3A_414 = vector.broadcast %while3A_411 : vector<256x1xf32> to vector<256x256xf32>
        %mul3A_415 = arith.mulf %select_n3A_163, %mul3A_414 : vector<256x256xf32>
        %reduce_max3A = arith.constant dense<0xFF800000> : vector<256xf32>
        %reduce_max3A_416 = vector.multi_reduction <maximumf>, %mul3A_415, %reduce_max3A [0] : vector<256x256xf32> to vector<256xf32>
        %broadcast_in_dim3A_417 = vector.shape_cast %reduce_max3A_416 : vector<256xf32> to vector<1x256xf32>
        %sub3A_418 = arith.constant 1.000000e+00 : f32
        %sub3A_419 = vector.broadcast %sub3A_418 : f32 to vector<1x256xf32>
        %sub3A_420 = arith.subf %sub3A_419, %broadcast_in_dim3A_417 : vector<1x256xf32>
        %mul3A_421 = arith.mulf %broadcast_in_dim3A_128, %sub3A_420 : vector<1x256xf32>
        %get3A_422 = arith.constant 0 : index
        %get3A_423 = arith.constant 0 : index
        %get3A_424 = vector.load %arg2[%get3A_422, %get3A_423] : memref<256x256xf32, #tpu.memory_space<vmem>>, vector<256x256xf32>
        %mul3A_425 = vector.broadcast %mul3A_421 : vector<1x256xf32> to vector<256x256xf32>
        %mul3A_426 = arith.mulf %get3A_424, %mul3A_425 : vector<256x256xf32>
        %reduce_sum3A_427 = arith.constant dense<0.000000e+00> : vector<256xf32>
        %reduce_sum3A_428 = vector.multi_reduction <add>, %mul3A_426, %reduce_sum3A_427 [1] : vector<256x256xf32> to vector<256xf32>
        %broadcast_in_dim3A_429 = vector.shape_cast %reduce_sum3A_428 : vector<256xf32> to vector<256x1xf32>
        %sub3A_430 = arith.subf %broadcast_in_dim3A_429, %while3A_411 : vector<256x1xf32>
        %abs3A = math.absf %sub3A_430 : vector<256x1xf32>
        %reduce_sum3A_431 = vector.shape_cast %abs3A : vector<256x1xf32> to vector<1x256x1xf32>
        %reduce_sum3A_432 = arith.constant dense<0.000000e+00> : vector<1xf32>
        %reduce_sum3A_433 = vector.multi_reduction <add>, %reduce_sum3A_431, %reduce_sum3A_432 [1, 2] : vector<1x256x1xf32> to vector<1xf32>
        %reduce_sum3A_434 = vector.shape_cast %reduce_sum3A_433 : vector<1xf32> to vector<1x1x1xf32>
        %reduce_sum3A_435 = vector.extract %reduce_sum3A_434[0, 0, 0] : f32 from vector<1x1x1xf32>
        %gt3A_436 = arith.constant 0.000000e+00 : f32
        %gt3A_437 = arith.cmpf ogt, %reduce_sum3A_435, %gt3A_436 : f32
        scf.yield %broadcast_in_dim3A_429, %mul3A_421, %gt3A_437 : vector<256x1xf32>, vector<1x256xf32>, i1
      }
      %swap3A_174 = arith.index_cast %scan3A_26 : i32 to index
      %swap3A_175 = arith.constant 0 : index
      %swap3A_176 = arith.constant 0 : index
      %swap3A_177 = vector.load %arg1[%swap3A_174, %swap3A_175, %swap3A_176] : memref<80x1x256xf32, #tpu.memory_space<vmem>>, vector<1x1x256xf32>
      %swap3A_178 = vector.shape_cast %swap3A_177 : vector<1x1x256xf32> to vector<1x256xf32>
      %swap3A_179 = vector.shape_cast %while3A_173#1 : vector<1x256xf32> to vector<1x1x256xf32>
      tpu.vector_store %arg1[%swap3A_174, %swap3A_175, %swap3A_176], %swap3A_179 {strides = array<i32>} : memref<80x1x256xf32, #tpu.memory_space<vmem>>, vector<1x1x256xf32>,
      %mul3A_180 = vector.broadcast %while3A_173#1 : vector<1x256xf32> to vector<256x256xf32>
      %mul3A_181 = arith.mulf %select_n3A, %mul3A_180 : vector<256x256xf32>
      %reduce_sum3A_182 = arith.constant dense<0.000000e+00> : vector<256xf32>
      %reduce_sum3A_183 = vector.multi_reduction <add>, %mul3A_181, %reduce_sum3A_182 [1] : vector<256x256xf32> to vector<256xf32>
      %broadcast_in_dim3A_184 = vector.shape_cast %reduce_sum3A_183 : vector<256xf32> to vector<256x1xf32>
      %convert_element_type3A_185 = arith.sitofp %scan3A_27 : i32 to f32
      %add3A_186 = vector.broadcast %convert_element_type3A_185 : f32 to vector<256x1xf32>
      %add3A_187 = arith.addf %broadcast_in_dim3A_184, %add3A_186 : vector<256x1xf32>
      %jit3A_188 = arith.constant 256 : i32
      %div3A_189 = arith.divsi %scan3A_27, %jit3A_188 : i32
      %sign3A_190 = arith.constant 0 : i32
      %sign3A_191 = arith.cmpi sgt, %scan3A_27, %sign3A_190 : i32
      %sign3A_192 = arith.extui %sign3A_191 : i1 to i32
      %sign3A_193 = arith.constant 0 : i32
      %sign3A_194 = arith.cmpi slt, %scan3A_27, %sign3A_193 : i32
      %sign3A_195 = arith.extui %sign3A_194 : i1 to i32
      %sign3A_196 = arith.subi %sign3A_192, %sign3A_195 : i32
      %sign3A_197 = arith.constant 0 : i32
      %sign3A_198 = arith.cmpi sgt, %jit3A_188, %sign3A_197 : i32
      %sign3A_199 = arith.extui %sign3A_198 : i1 to i32
      %sign3A_200 = arith.constant 0 : i32
      %sign3A_201 = arith.cmpi slt, %jit3A_188, %sign3A_200 : i32
      %sign3A_202 = arith.extui %sign3A_201 : i1 to i32
      %sign3A_203 = arith.subi %sign3A_199, %sign3A_202 : i32
      %ne3A_204 = arith.cmpi ne, %sign3A_196, %sign3A_203 : i32
      %rem3A_205 = arith.remsi %scan3A_27, %jit3A_188 : i32
      %ne3A_206 = arith.constant 0 : i32
      %ne3A_207 = arith.cmpi ne, %rem3A_205, %ne3A_206 : i32
      %and3A_208 = arith.andi %ne3A_204, %ne3A_207 : i1
      %sub3A_209 = arith.constant 1 : i32
      %sub3A_210 = arith.subi %div3A_189, %sub3A_209 : i32
      %select_n3A_211 = arith.select %and3A_208, %sub3A_210, %div3A_189 : i32
      %mul3A_212 = arith.constant 256 : i32
      %mul3A_213 = arith.muli %select_n3A_211, %mul3A_212 : i32
      %convert_element_type3A_214 = arith.sitofp %mul3A_213 : i32 to f32
      %sub3A_215 = vector.broadcast %convert_element_type3A_214 : f32 to vector<256x1xf32>
      %sub3A_216 = arith.subf %add3A_187, %sub3A_215 : vector<256x1xf32>
      %eq3A_217 = vector.broadcast %sub3A_216 : vector<256x1xf32> to vector<256x256xf32>
      %eq3A_218 = vector.broadcast %convert_element_type3A_19 : vector<1x256xf32> to vector<256x256xf32>
      %eq3A_219 = arith.cmpf oeq, %eq3A_217, %eq3A_218 : vector<256x256xf32>
      %gt3A_220 = arith.constant 5.000000e-01 : f32
      %gt3A_221 = vector.broadcast %gt3A_220 : f32 to vector<256x1xf32>
      %gt3A_222 = arith.cmpf ogt, %while3A_173#0, %gt3A_221 : vector<256x1xf32>
      %and3A_223 = vector.broadcast %gt3A_222 : vector<256x1xi1> to vector<256x256xi1>
      %and3A_224 = arith.andi %eq3A_219, %and3A_223 : vector<256x256xi1>
      %jit3A_225 = arith.constant 1.000000e+00 : f32
      %jit3A_226 = arith.constant 0.000000e+00 : f32
      %broadcast_in_dim3A_227 = vector.broadcast %jit3A_225 : f32 to vector<256x256xf32>
      %broadcast_in_dim3A_228 = vector.broadcast %jit3A_226 : f32 to vector<256x256xf32>
      %select_n3A_229 = arith.select %and3A_224, %broadcast_in_dim3A_227, %broadcast_in_dim3A_228 : vector<256x256xi1>, vector<256x256xf32>
      %get3A_230 = arith.constant 0 : index
      %get3A_231 = arith.index_cast %select_n3A_211 : i32 to index
      %get3A_232 = arith.constant 0 : index
      %get3A_233 = arith.constant 0 : index
      %get3A_234 = vector.load %arg3[%get3A_230, %get3A_231, %get3A_232, %get3A_233] : memref<4x81x1x256xf32, #tpu.memory_space<vmem>>, vector<1x1x1x256xf32>
      %get3A_235 = vector.shape_cast %get3A_234 : vector<1x1x1x256xf32> to vector<1x256xf32>
      %mul3A_236 = vector.broadcast %broadcast_in_dim3A_56 : vector<256x1xf32> to vector<256x256xf32>
      %mul3A_237 = arith.mulf %select_n3A_229, %mul3A_236 : vector<256x256xf32>
      %reduce_sum3A_238 = arith.constant dense<0.000000e+00> : vector<256xf32>
      %reduce_sum3A_239 = vector.multi_reduction <add>, %mul3A_237, %reduce_sum3A_238 [0] : vector<256x256xf32> to vector<256xf32>
      %broadcast_in_dim3A_240 = vector.shape_cast %reduce_sum3A_239 : vector<256xf32> to vector<1x256xf32>
      %add3A_241 = arith.addf %get3A_235, %broadcast_in_dim3A_240 : vector<1x256xf32>
      %swap3A_242 = arith.constant 0 : index
      %swap3A_243 = arith.index_cast %select_n3A_211 : i32 to index
      %swap3A_244 = arith.constant 0 : index
      %swap3A_245 = arith.constant 0 : index
      %swap3A_246 = vector.load %arg3[%swap3A_242, %swap3A_243, %swap3A_244, %swap3A_245] : memref<4x81x1x256xf32, #tpu.memory_space<vmem>>, vector<1x1x1x256xf32>
      %swap3A_247 = vector.shape_cast %swap3A_246 : vector<1x1x1x256xf32> to vector<1x256xf32>
      %swap3A_248 = vector.shape_cast %add3A_241 : vector<1x256xf32> to vector<1x1x1x256xf32>
      tpu.vector_store %arg3[%swap3A_242, %swap3A_243, %swap3A_244, %swap3A_245], %swap3A_248 {strides = array<i32>} : memref<4x81x1x256xf32, #tpu.memory_space<vmem>>, vector<1x1x1x256xf32>,
      %get3A_249 = arith.constant 1 : index
      %get3A_250 = arith.index_cast %select_n3A_211 : i32 to index
      %get3A_251 = arith.constant 0 : index
      %get3A_252 = arith.constant 0 : index
      %get3A_253 = vector.load %arg3[%get3A_249, %get3A_250, %get3A_251, %get3A_252] : memref<4x81x1x256xf32, #tpu.memory_space<vmem>>, vector<1x1x1x256xf32>
      %get3A_254 = vector.shape_cast %get3A_253 : vector<1x1x1x256xf32> to vector<1x256xf32>
      %mul3A_255 = vector.broadcast %broadcast_in_dim3A_64 : vector<256x1xf32> to vector<256x256xf32>
      %mul3A_256 = arith.mulf %select_n3A_229, %mul3A_255 : vector<256x256xf32>
      %reduce_sum3A_257 = arith.constant dense<0.000000e+00> : vector<256xf32>
      %reduce_sum3A_258 = vector.multi_reduction <add>, %mul3A_256, %reduce_sum3A_257 [0] : vector<256x256xf32> to vector<256xf32>
      %broadcast_in_dim3A_259 = vector.shape_cast %reduce_sum3A_258 : vector<256xf32> to vector<1x256xf32>
      %add3A_260 = arith.addf %get3A_254, %broadcast_in_dim3A_259 : vector<1x256xf32>
      %swap3A_261 = arith.constant 1 : index
      %swap3A_262 = arith.index_cast %select_n3A_211 : i32 to index
      %swap3A_263 = arith.constant 0 : index
      %swap3A_264 = arith.constant 0 : index
      %swap3A_265 = vector.load %arg3[%swap3A_261, %swap3A_262, %swap3A_263, %swap3A_264] : memref<4x81x1x256xf32, #tpu.memory_space<vmem>>, vector<1x1x1x256xf32>
      %swap3A_266 = vector.shape_cast %swap3A_265 : vector<1x1x1x256xf32> to vector<1x256xf32>
      %swap3A_267 = vector.shape_cast %add3A_260 : vector<1x256xf32> to vector<1x1x1x256xf32>
      tpu.vector_store %arg3[%swap3A_261, %swap3A_262, %swap3A_263, %swap3A_264], %swap3A_267 {strides = array<i32>} : memref<4x81x1x256xf32, #tpu.memory_space<vmem>>, vector<1x1x1x256xf32>,
      %get3A_268 = arith.constant 2 : index
      %get3A_269 = arith.index_cast %select_n3A_211 : i32 to index
      %get3A_270 = arith.constant 0 : index
      %get3A_271 = arith.constant 0 : index
      %get3A_272 = vector.load %arg3[%get3A_268, %get3A_269, %get3A_270, %get3A_271] : memref<4x81x1x256xf32, #tpu.memory_space<vmem>>, vector<1x1x1x256xf32>
      %get3A_273 = vector.shape_cast %get3A_272 : vector<1x1x1x256xf32> to vector<1x256xf32>
      %mul3A_274 = vector.broadcast %broadcast_in_dim3A_72 : vector<256x1xf32> to vector<256x256xf32>
      %mul3A_275 = arith.mulf %select_n3A_229, %mul3A_274 : vector<256x256xf32>
      %reduce_sum3A_276 = arith.constant dense<0.000000e+00> : vector<256xf32>
      %reduce_sum3A_277 = vector.multi_reduction <add>, %mul3A_275, %reduce_sum3A_276 [0] : vector<256x256xf32> to vector<256xf32>
      %broadcast_in_dim3A_278 = vector.shape_cast %reduce_sum3A_277 : vector<256xf32> to vector<1x256xf32>
      %add3A_279 = arith.addf %get3A_273, %broadcast_in_dim3A_278 : vector<1x256xf32>
      %swap3A_280 = arith.constant 2 : index
      %swap3A_281 = arith.index_cast %select_n3A_211 : i32 to index
      %swap3A_282 = arith.constant 0 : index
      %swap3A_283 = arith.constant 0 : index
      %swap3A_284 = vector.load %arg3[%swap3A_280, %swap3A_281, %swap3A_282, %swap3A_283] : memref<4x81x1x256xf32, #tpu.memory_space<vmem>>, vector<1x1x1x256xf32>
      %swap3A_285 = vector.shape_cast %swap3A_284 : vector<1x1x1x256xf32> to vector<1x256xf32>
      %swap3A_286 = vector.shape_cast %add3A_279 : vector<1x256xf32> to vector<1x1x1x256xf32>
      tpu.vector_store %arg3[%swap3A_280, %swap3A_281, %swap3A_282, %swap3A_283], %swap3A_286 {strides = array<i32>} : memref<4x81x1x256xf32, #tpu.memory_space<vmem>>, vector<1x1x1x256xf32>,
      %get3A_287 = arith.constant 3 : index
      %get3A_288 = arith.index_cast %select_n3A_211 : i32 to index
      %get3A_289 = arith.constant 0 : index
      %get3A_290 = arith.constant 0 : index
      %get3A_291 = vector.load %arg3[%get3A_287, %get3A_288, %get3A_289, %get3A_290] : memref<4x81x1x256xf32, #tpu.memory_space<vmem>>, vector<1x1x1x256xf32>
      %get3A_292 = vector.shape_cast %get3A_291 : vector<1x1x1x256xf32> to vector<1x256xf32>
      %mul3A_293 = vector.broadcast %broadcast_in_dim3A_80 : vector<256x1xf32> to vector<256x256xf32>
      %mul3A_294 = arith.mulf %select_n3A_229, %mul3A_293 : vector<256x256xf32>
      %reduce_sum3A_295 = arith.constant dense<0.000000e+00> : vector<256xf32>
      %reduce_sum3A_296 = vector.multi_reduction <add>, %mul3A_294, %reduce_sum3A_295 [0] : vector<256x256xf32> to vector<256xf32>
      %broadcast_in_dim3A_297 = vector.shape_cast %reduce_sum3A_296 : vector<256xf32> to vector<1x256xf32>
      %add3A_298 = arith.addf %get3A_292, %broadcast_in_dim3A_297 : vector<1x256xf32>
      %swap3A_299 = arith.constant 3 : index
      %swap3A_300 = arith.index_cast %select_n3A_211 : i32 to index
      %swap3A_301 = arith.constant 0 : index
      %swap3A_302 = arith.constant 0 : index
      %swap3A_303 = vector.load %arg3[%swap3A_299, %swap3A_300, %swap3A_301, %swap3A_302] : memref<4x81x1x256xf32, #tpu.memory_space<vmem>>, vector<1x1x1x256xf32>
      %swap3A_304 = vector.shape_cast %swap3A_303 : vector<1x1x1x256xf32> to vector<1x256xf32>
      %swap3A_305 = vector.shape_cast %add3A_298 : vector<1x256xf32> to vector<1x1x1x256xf32>
      tpu.vector_store %arg3[%swap3A_299, %swap3A_300, %swap3A_301, %swap3A_302], %swap3A_305 {strides = array<i32>} : memref<4x81x1x256xf32, #tpu.memory_space<vmem>>, vector<1x1x1x256xf32>,
      %add3A_306 = arith.constant 1 : i32
      %add3A_307 = arith.addi %select_n3A_211, %add3A_306 : i32
      %add3A_308 = arith.constant 1 : i32
      %add3A_309 = arith.addi %select_n3A_211, %add3A_308 : i32
      %mul3A_310 = arith.constant 256 : i32
      %mul3A_311 = arith.muli %add3A_309, %mul3A_310 : i32
      %convert_element_type3A_312 = arith.sitofp %mul3A_311 : i32 to f32
      %sub3A_313 = vector.broadcast %convert_element_type3A_312 : f32 to vector<256x1xf32>
      %sub3A_314 = arith.subf %add3A_187, %sub3A_313 : vector<256x1xf32>
      %eq3A_315 = vector.broadcast %sub3A_314 : vector<256x1xf32> to vector<256x256xf32>
      %eq3A_316 = vector.broadcast %convert_element_type3A_19 : vector<1x256xf32> to vector<256x256xf32>
      %eq3A_317 = arith.cmpf oeq, %eq3A_315, %eq3A_316 : vector<256x256xf32>
      %gt3A_318 = arith.constant 5.000000e-01 : f32
      %gt3A_319 = vector.broadcast %gt3A_318 : f32 to vector<256x1xf32>
      %gt3A_320 = arith.cmpf ogt, %while3A_173#0, %gt3A_319 : vector<256x1xf32>
      %and3A_321 = vector.broadcast %gt3A_320 : vector<256x1xi1> to vector<256x256xi1>
      %and3A_322 = arith.andi %eq3A_317, %and3A_321 : vector<256x256xi1>
      %jit3A_323 = arith.constant 1.000000e+00 : f32
      %jit3A_324 = arith.constant 0.000000e+00 : f32
      %broadcast_in_dim3A_325 = vector.broadcast %jit3A_323 : f32 to vector<256x256xf32>
      %broadcast_in_dim3A_326 = vector.broadcast %jit3A_324 : f32 to vector<256x256xf32>
      %select_n3A_327 = arith.select %and3A_322, %broadcast_in_dim3A_325, %broadcast_in_dim3A_326 : vector<256x256xi1>, vector<256x256xf32>
      %get3A_328 = arith.constant 0 : index
      %get3A_329 = arith.index_cast %add3A_307 : i32 to index
      %get3A_330 = arith.constant 0 : index
      %get3A_331 = arith.constant 0 : index
      %get3A_332 = vector.load %arg3[%get3A_328, %get3A_329, %get3A_330, %get3A_331] : memref<4x81x1x256xf32, #tpu.memory_space<vmem>>, vector<1x1x1x256xf32>
      %get3A_333 = vector.shape_cast %get3A_332 : vector<1x1x1x256xf32> to vector<1x256xf32>
      %mul3A_334 = vector.broadcast %broadcast_in_dim3A_56 : vector<256x1xf32> to vector<256x256xf32>
      %mul3A_335 = arith.mulf %select_n3A_327, %mul3A_334 : vector<256x256xf32>
      %reduce_sum3A_336 = arith.constant dense<0.000000e+00> : vector<256xf32>
      %reduce_sum3A_337 = vector.multi_reduction <add>, %mul3A_335, %reduce_sum3A_336 [0] : vector<256x256xf32> to vector<256xf32>
      %broadcast_in_dim3A_338 = vector.shape_cast %reduce_sum3A_337 : vector<256xf32> to vector<1x256xf32>
      %add3A_339 = arith.addf %get3A_333, %broadcast_in_dim3A_338 : vector<1x256xf32>
      %swap3A_340 = arith.constant 0 : index
      %swap3A_341 = arith.index_cast %add3A_307 : i32 to index
      %swap3A_342 = arith.constant 0 : index
      %swap3A_343 = arith.constant 0 : index
      %swap3A_344 = vector.load %arg3[%swap3A_340, %swap3A_341, %swap3A_342, %swap3A_343] : memref<4x81x1x256xf32, #tpu.memory_space<vmem>>, vector<1x1x1x256xf32>
      %swap3A_345 = vector.shape_cast %swap3A_344 : vector<1x1x1x256xf32> to vector<1x256xf32>
      %swap3A_346 = vector.shape_cast %add3A_339 : vector<1x256xf32> to vector<1x1x1x256xf32>
      tpu.vector_store %arg3[%swap3A_340, %swap3A_341, %swap3A_342, %swap3A_343], %swap3A_346 {strides = array<i32>} : memref<4x81x1x256xf32, #tpu.memory_space<vmem>>, vector<1x1x1x256xf32>,
      %get3A_347 = arith.constant 1 : index
      %get3A_348 = arith.index_cast %add3A_307 : i32 to index
      %get3A_349 = arith.constant 0 : index
      %get3A_350 = arith.constant 0 : index
      %get3A_351 = vector.load %arg3[%get3A_347, %get3A_348, %get3A_349, %get3A_350] : memref<4x81x1x256xf32, #tpu.memory_space<vmem>>, vector<1x1x1x256xf32>
      %get3A_352 = vector.shape_cast %get3A_351 : vector<1x1x1x256xf32> to vector<1x256xf32>
      %mul3A_353 = vector.broadcast %broadcast_in_dim3A_64 : vector<256x1xf32> to vector<256x256xf32>
      %mul3A_354 = arith.mulf %select_n3A_327, %mul3A_353 : vector<256x256xf32>
      %reduce_sum3A_355 = arith.constant dense<0.000000e+00> : vector<256xf32>
      %reduce_sum3A_356 = vector.multi_reduction <add>, %mul3A_354, %reduce_sum3A_355 [0] : vector<256x256xf32> to vector<256xf32>
      %broadcast_in_dim3A_357 = vector.shape_cast %reduce_sum3A_356 : vector<256xf32> to vector<1x256xf32>
      %add3A_358 = arith.addf %get3A_352, %broadcast_in_dim3A_357 : vector<1x256xf32>
      %swap3A_359 = arith.constant 1 : index
      %swap3A_360 = arith.index_cast %add3A_307 : i32 to index
      %swap3A_361 = arith.constant 0 : index
      %swap3A_362 = arith.constant 0 : index
      %swap3A_363 = vector.load %arg3[%swap3A_359, %swap3A_360, %swap3A_361, %swap3A_362] : memref<4x81x1x256xf32, #tpu.memory_space<vmem>>, vector<1x1x1x256xf32>
      %swap3A_364 = vector.shape_cast %swap3A_363 : vector<1x1x1x256xf32> to vector<1x256xf32>
      %swap3A_365 = vector.shape_cast %add3A_358 : vector<1x256xf32> to vector<1x1x1x256xf32>
      tpu.vector_store %arg3[%swap3A_359, %swap3A_360, %swap3A_361, %swap3A_362], %swap3A_365 {strides = array<i32>} : memref<4x81x1x256xf32, #tpu.memory_space<vmem>>, vector<1x1x1x256xf32>,
      %get3A_366 = arith.constant 2 : index
      %get3A_367 = arith.index_cast %add3A_307 : i32 to index
      %get3A_368 = arith.constant 0 : index
      %get3A_369 = arith.constant 0 : index
      %get3A_370 = vector.load %arg3[%get3A_366, %get3A_367, %get3A_368, %get3A_369] : memref<4x81x1x256xf32, #tpu.memory_space<vmem>>, vector<1x1x1x256xf32>
      %get3A_371 = vector.shape_cast %get3A_370 : vector<1x1x1x256xf32> to vector<1x256xf32>
      %mul3A_372 = vector.broadcast %broadcast_in_dim3A_72 : vector<256x1xf32> to vector<256x256xf32>
      %mul3A_373 = arith.mulf %select_n3A_327, %mul3A_372 : vector<256x256xf32>
      %reduce_sum3A_374 = arith.constant dense<0.000000e+00> : vector<256xf32>
      %reduce_sum3A_375 = vector.multi_reduction <add>, %mul3A_373, %reduce_sum3A_374 [0] : vector<256x256xf32> to vector<256xf32>
      %broadcast_in_dim3A_376 = vector.shape_cast %reduce_sum3A_375 : vector<256xf32> to vector<1x256xf32>
      %add3A_377 = arith.addf %get3A_371, %broadcast_in_dim3A_376 : vector<1x256xf32>
      %swap3A_378 = arith.constant 2 : index
      %swap3A_379 = arith.index_cast %add3A_307 : i32 to index
      %swap3A_380 = arith.constant 0 : index
      %swap3A_381 = arith.constant 0 : index
      %swap3A_382 = vector.load %arg3[%swap3A_378, %swap3A_379, %swap3A_380, %swap3A_381] : memref<4x81x1x256xf32, #tpu.memory_space<vmem>>, vector<1x1x1x256xf32>
      %swap3A_383 = vector.shape_cast %swap3A_382 : vector<1x1x1x256xf32> to vector<1x256xf32>
      %swap3A_384 = vector.shape_cast %add3A_377 : vector<1x256xf32> to vector<1x1x1x256xf32>
      tpu.vector_store %arg3[%swap3A_378, %swap3A_379, %swap3A_380, %swap3A_381], %swap3A_384 {strides = array<i32>} : memref<4x81x1x256xf32, #tpu.memory_space<vmem>>, vector<1x1x1x256xf32>,
      %get3A_385 = arith.constant 3 : index
      %get3A_386 = arith.index_cast %add3A_307 : i32 to index
      %get3A_387 = arith.constant 0 : index
      %get3A_388 = arith.constant 0 : index
      %get3A_389 = vector.load %arg3[%get3A_385, %get3A_386, %get3A_387, %get3A_388] : memref<4x81x1x256xf32, #tpu.memory_space<vmem>>, vector<1x1x1x256xf32>
      %get3A_390 = vector.shape_cast %get3A_389 : vector<1x1x1x256xf32> to vector<1x256xf32>
      %mul3A_391 = vector.broadcast %broadcast_in_dim3A_80 : vector<256x1xf32> to vector<256x256xf32>
      %mul3A_392 = arith.mulf %select_n3A_327, %mul3A_391 : vector<256x256xf32>
      %reduce_sum3A_393 = arith.constant dense<0.000000e+00> : vector<256xf32>
      %reduce_sum3A_394 = vector.multi_reduction <add>, %mul3A_392, %reduce_sum3A_393 [0] : vector<256x256xf32> to vector<256xf32>
      %broadcast_in_dim3A_395 = vector.shape_cast %reduce_sum3A_394 : vector<256xf32> to vector<1x256xf32>
      %add3A_396 = arith.addf %get3A_390, %broadcast_in_dim3A_395 : vector<1x256xf32>
      %swap3A_397 = arith.constant 3 : index
      %swap3A_398 = arith.index_cast %add3A_307 : i32 to index
      %swap3A_399 = arith.constant 0 : index
      %swap3A_400 = arith.constant 0 : index
      %swap3A_401 = vector.load %arg3[%swap3A_397, %swap3A_398, %swap3A_399, %swap3A_400] : memref<4x81x1x256xf32, #tpu.memory_space<vmem>>, vector<1x1x1x256xf32>
      %swap3A_402 = vector.shape_cast %swap3A_401 : vector<1x1x1x256xf32> to vector<1x256xf32>
      %swap3A_403 = vector.shape_cast %add3A_396 : vector<1x256xf32> to vector<1x1x1x256xf32>
      tpu.vector_store %arg3[%swap3A_397, %swap3A_398, %swap3A_399, %swap3A_400], %swap3A_403 {strides = array<i32>} : memref<4x81x1x256xf32, #tpu.memory_space<vmem>>, vector<1x1x1x256xf32>,
      %reduce_sum3A_404 = vector.shape_cast %while3A_173#1 : vector<1x256xf32> to vector<1x1x256xf32>
      %reduce_sum3A_405 = arith.constant dense<0.000000e+00> : vector<1xf32>
      %reduce_sum3A_406 = vector.multi_reduction <add>, %reduce_sum3A_404, %reduce_sum3A_405 [1, 2] : vector<1x1x256xf32> to vector<1xf32>
      %reduce_sum3A_407 = vector.shape_cast %reduce_sum3A_406 : vector<1xf32> to vector<1x1x1xf32>
      %reduce_sum3A_408 = vector.extract %reduce_sum3A_407[0, 0, 0] : f32 from vector<1x1x1xf32>
      %convert_element_type3A_409 = arith.fptosi %reduce_sum3A_408 : f32 to i32
      %add3A_410 = arith.addi %scan3A_27, %convert_element_type3A_409 : i32
      scf.yield %add3A_410 : i32
    }
    %scan3A_25 = arith.constant 80 : i32
    return
  }
}

</mosaic_0001>

<sc_bundles>
// kernel: gather_offload_async_start
scs
__scs_entry_jumppad:
0x0: {  	(pc) =	sbr.rel $0x88, $3  }
0x1: {  	(tag) =	ssettag $0x0;
	lr =	simm.s32 $0x1  }
0x2: {  	[smem:$0x3F9F] =	sst lr;
	_ =	strace $0xD0000000  }
0x3: {  	_ = 	snop  }
0x4: {  	_ = 	snop  }
0x5: {  	_ = 	snop  }
0x6: {  	_ = 	snop  }
0x7: {  	_ = 	snop  }
__scs_overlays_trampoline_lowered:
0x8: {  	[smem:$0x3FAE] =	sst s0  }
0x9: {  	[smem:$0x3FAF] =	sst s1  }
0xa: {  	[smem:$0x3FB0] =	sst s2  }
0xb: {  	[smem:$0x3FB1] =	sst s3  }
0xc: {  	[smem:$0x3FB2] =	sst s4  }
0xd: {  	[smem:$0x3FB3] =	sst s5  }
0xe: {  	[smem:$0x3FB4] =	sst s6  }
0xf: {  	[smem:$0x3FB5] =	sst s7  }
0x10: {  	[smem:$0x3FB6] =	sst s8  }
0x11: {  	[smem:$0x3FB7] =	sst s9;
	s0 =	simm.s32 @!p0 $0x0  }
0x12: {  	s1 =	sld [smem:$0x3F9D];
	s0 =	simm.s32 @p0 $0x1  }
0x13: {  	[smem:$0x3FB8] =	sst s0;
	s0 =	simm.s32 @!p1 $0x0  }
0x14: {  	s2 =	sld [smem:$0x3F9C];
	s0 =	simm.s32 @p1 $0x1  }
0x15: {  	[smem:$0x3FB9] =	sst s0;
	s0 =	simm.s32 @!p2 $0x0  }
0x16: {  	s3 =	sld [smem:$0x3FDB];
	s0 =	simm.s32 @p2 $0x1  }
0x17: {  	s4 =	simm.s32 $0x1BF5;
	[smem:$0x3FBB] =	sst s0  }
0x18: {  	s0 =	sld [smem:$0x3F9E];
	_ =	swait.ge [sflag:s4], $0x0  }
0x19: {  	s7 =	sld [smem:$0x3F9F]  }
0x1a: {  	s8 =	sadd.s32 $0xFFFFE003, lr  }
0x1b: {  	s9 =	sadd.s32 $0xFFFFFEF7, lr;
	s5 =	simm.s32 $0xFFFFFFFF;
	p2 =	slt.u32 s8, $0xFFFFF086  }
0x1c: {  	p1 =	slt.u32 s9, $0xF7A;
	s5 =	simm.s32 @!p2 $0x0  }
0x1d: {  	s5 =	simm.s32 @p1 $0x1;
	p0 =	seq.s32 s7, s2  }
0x1e: {  	s7 =	smul.u32 @!p0 $0xF7A, s2;
	p2 =	seq.s32 @!p0 s5, $0x0  }
0x1f: {  	s9 =	smul.u32 $0xF7A, s1;
	s8 =	simm.s32 @!p0 $0x1BF5;
	p2 =	por !p2, p0  }
0x20: {  	[sflag:s8] =	ssyncset.s32 @!p0 $0xFFFFF086;
	s6 =	sadd.s32 @!p0 s3, s7;
	s7 =	simm.s32 @!p0 $0x108  }
0x21: {  	s3 =	sadd.s32 s3, s9;
	s6 =	sadd.s32 @!p0 $0x88, s6;
	s7 =	simm.s32 @p2 $0x1082  }
0x22: {  	[simem:s7], [sflag:s8] =	dma.local @!p0 [hbm:s6], $0xF7A  }
0x23: {  	s9 =	sor.u32 $0xD0000000, s2;
	s6 =	simm.s32 $0x108;
	_ =	swait.ge @!p0 [sflag:s8], $0x0  }
0x24: {  	s3 =	sadd.s32 $0x88, s3;
	s6 =	simm.s32 @!p1 $0x1082;
	[sflag:s4] =	ssyncset.s32 $0xFFFFF086  }
0x25: {  	[simem:s6], [sflag:s4] =	dma.local [hbm:s3], $0xF7A  }
0x26: {  	[smem:$0x3F9F] =	sst s1;
	(tag) =	ssettag s2;
	_ =	strace s9  }
0x27: {  	s1 =	sld [smem:$0x3FAF]  }
0x28: {  	s2 =	sld [smem:$0x3FB0]  }
0x29: {  	s4 =	sld [smem:$0x3FB2]  }
0x2a: {  	p0 =	seq.s32 s5, $0x0;
	s5 =	sld [smem:$0x3FB3]  }
0x2b: {  	s6 =	sld [smem:$0x3FB4]  }
0x2c: {  	s7 =	sld [smem:$0x3FB5]  }
0x2d: {  	s3 =	simm.s32 $0x108;
	s8 =	sld [smem:$0x3FB6]  }
0x2e: {  	s3 =	simm.s32 @!p0 $0x1082;
	s9 =	sld [smem:$0x3FB7]  }
0x2f: {  	lr =	sadd.s32 s0, s3;
	s0 =	sld [smem:$0x3FAE]  }
0x30: {  	s3 =	sld [smem:$0x3FB1]  }
0x31: {  	[smem:$0x3FBA] =	sst s10  }
0x32: {  	s10 =	sld [smem:$0x3FB8];
	_ =	sdelay $0x3  }
0x33: {  	p0 =	seq.s32 s10, $0x1;
	s10 =	sld [smem:$0x3FBA];
	_ =	sdelay $0x3  }
0x34: {  	[smem:$0x3FBA] =	sst s10  }
0x35: {  	s10 =	sld [smem:$0x3FB9];
	_ =	sdelay $0x3  }
0x36: {  	p1 =	seq.s32 s10, $0x1;
	s10 =	sld [smem:$0x3FBA];
	_ =	sdelay $0x3  }
0x37: {  	[smem:$0x3FBA] =	sst s10  }
0x38: {  	s10 =	sld [smem:$0x3FBB]  }
0x39: {  	_ = 	snop;
	(pc) =	sbr.ind lr, $3  }
0x3a: {  	_ = 	snop  }
0x3b: {  	_ = 	snop  }
0x3c: {  	p2 =	seq.s32 s10, $0x1;
	s10 =	sld [smem:$0x3FBA]  }
0x3d: {  	_ =	shalt  }
0x3e: {  	_ =	shalt  }
0x3f: {  	_ =	shalt  }
0x40: {  	_ =	shalt  }
0x41: {  	_ =	shalt  }
0x42: {  	_ =	shalt  }
0x43: {  	_ =	shalt  }
0x44: {  	_ =	shalt  }
0x45: {  	_ =	shalt  }
0x46: {  	_ =	shalt  }
0x47: {  	_ =	shalt  }
0x48: {  	_ =	shalt  }
0x49: {  	_ =	shalt  }
0x4a: {  	_ =	shalt  }
0x4b: {  	_ =	shalt  }
0x4c: {  	_ =	shalt  }
0x4d: {  	_ =	shalt  }
0x4e: {  	_ =	shalt  }
0x4f: {  	_ =	shalt  }
0x50: {  	_ =	shalt  }
0x51: {  	_ =	shalt  }
0x52: {  	_ =	shalt  }
0x53: {  	_ =	shalt  }
0x54: {  	_ =	shalt  }
0x55: {  	_ =	shalt  }
0x56: {  	_ =	shalt  }
0x57: {  	_ =	shalt  }
0x58: {  	_ =	shalt  }
0x59: {  	_ =	shalt  }
0x5a: {  	_ =	shalt  }
0x5b: {  	_ =	shalt  }
0x5c: {  	_ =	shalt  }
0x5d: {  	_ =	shalt  }
0x5e: {  	_ =	shalt  }
0x5f: {  	_ =	shalt  }
0x60: {  	_ =	shalt  }
0x61: {  	_ =	shalt  }
0x62: {  	_ =	shalt  }
0x63: {  	_ =	shalt  }
0x64: {  	_ =	shalt  }
0x65: {  	_ =	shalt  }
0x66: {  	_ =	shalt  }
0x67: {  	_ =	shalt  }
0x68: {  	_ =	shalt  }
0x69: {  	_ =	shalt  }
0x6a: {  	_ =	shalt  }
0x6b: {  	_ =	shalt  }
0x6c: {  	_ =	shalt  }
0x6d: {  	_ =	shalt  }
0x6e: {  	_ =	shalt  }
0x6f: {  	_ =	shalt  }
0x70: {  	_ =	shalt  }
0x71: {  	_ =	shalt  }
0x72: {  	_ =	shalt  }
0x73: {  	_ =	shalt  }
0x74: {  	_ =	shalt  }
0x75: {  	_ =	shalt  }
0x76: {  	_ =	shalt  }
0x77: {  	_ =	shalt  }
0x78: {  	_ =	shalt  }
0x79: {  	_ =	shalt  }
0x7a: {  	_ =	shalt  }
0x7b: {  	_ =	shalt  }
0x7c: {  	_ =	shalt  }
0x7d: {  	_ =	shalt  }
0x7e: {  	_ =	shalt  }
0x7f: {  	_ =	shalt  }
0x80: {  	_ =	shalt  }
0x81: {  	_ =	shalt  }
0x82: {  	_ =	shalt  }
0x83: {  	_ =	shalt  }
0x84: {  	_ =	shalt  }
0x85: {  	_ =	shalt  }
0x86: {  	_ =	shalt  }
0x87: {  	_ =	shalt  }
.Lfunc_end0:
.L_simem_size_0:
called_computation_lowered:
.L_overlay_start_0:
0x88: {  	s2 =	sld [smem:$0x3FD9]  }
0x89: {  	s3 =	sld [smem:$0x3FFE];
	_ =	sdelay $0x1  }
0x8a: {  	s1 =	srdreg.scid  }
0x8b: {  	s0 =	sand.u32 $0x1, s1  }
0x8c: {  	s17 =	sshll.u32 s0, $0xA;
	s2 =	sadd.s32 s3, s2  }
0x8d: {  	s2 =	sadd.s32 s2, s17  }
0x8e: {  	[smem:$0x3FC6] =	sst s2  }
0x8f: {  	_ = 	snop  }
0x90: {  	s2 =	sld [smem:$0x3FD0];
	(tm) =	ssettm $0x1  }
0x91: {  	s18 =	sld [smem:$0x3FFB];
	_ =	sdelay $0x3  }
0x92: {  	_ =	strace s18  }
0x93: {  	s3 =	sld [smem:$0x3FFC];
	_ =	sdelay $0x3  }
0x94: {  	_ =	strace s3  }
0x95: {  	s3 =	sld [smem:$0x3FFD];
	_ =	sdelay $0x3  }
0x96: {  	_ =	strace s3  }
0x97: {  	_ =	strace $0x8FFFFFFF  }
0x98: {  	s19 =	sld [smem:$0x3FDB];
	_ =	sdelay $0x1  }
0x99: {  	s4 =	simm.s32 $_scs_section_size  }
0x9a: {  	s5 =	simm.s32 $_size__tile_overlayer_lowered;
	s6 =	simm.s32 $_tile_overlayer_lowered  }
0x9b: {  	s22 =	simm.s32 $0x1BFF;
	s21 =	sshll.u32 s6, $0x1;
	s3 =	sadd.s32 s4, s19  }
0x9c: {  	s7 =	simm.s32 $0x0;
	s20 =	sshll.u32 s5, $0x1;
	s5 =	sadd.s32 s21, s3  }
0x9d: {  	[timem:s7], [sflag:s22] =	dma.local [hbm:s5], s20  }
0x9e: {  	_ =	swait.ge [sflag:s22], s20  }
0x9f: {  	s4 =	ssub.s32 $0x0, s20;
	[sflag:s22] =	ssyncset.done $0x0  }
0xa0: {  	[sflag:s22] =	ssyncadd.s32 s4;
	_ =	sdelay $0x1  }
0xa1: {  	s23 =	simm.s32 $0x1B8B  }
0xa2: {  	_ =	swait.ge [sflag:s23], $0x1  }
0xa3: {  	[sflag:s23] =	ssyncset.done $0x0  }
0xa4: {  	s25 =	simm.s32 $0x1B8E;
	s24 =	sld [smem:$0x3FFE];
	[sflag:s23] =	ssyncadd.s32 $0xFFFFFFFF  }
0xa5: {  	s26 =	simm.s32 $execute0_lowered;
	[smem:$0x3FD2] =	sst s25  }
0xa6: {  	s5 =	sshll.u32 s26, $0x1;
	_ =	strace $0x80000046;
	[dreg:$0x1] =	wrdreg $0xFFFFFFFF  }
0xa7: {  	s28 =	simm.s32 $_size_execute0_lowered;
	s3 =	sadd.s32 s3, s5;
	[dreg:$0x0] =	wrdreg $0x0  }
0xa8: {  	s5 =	sshll.u32 s28, $0x1;
	[dreg:$0x2] =	wrdreg s3  }
0xa9: {  	[dreg:$0x3] =	wrdreg s5  }
0xaa: {  	[dreg:$0x4] =	wrdreg $0xC0  }
0xab: {  	_ =	task [dreg:s7], $0x5FFFF  }
0xac: {  	[dreg:$0x1] =	wrdreg $0xFFFFFFFF  }
0xad: {  	[dreg:$0x0] =	wrdreg $0x60  }
0xae: {  	[dreg:$0x2] =	wrdreg s24  }
0xaf: {  	[dreg:$0x3] =	wrdreg s2  }
0xb0: {  	[dreg:$0x4] =	wrdreg $0x9  }
0xb1: {  	_ =	task.clear_ibuf [dreg:s7], $0x5FFFF;
	_ =	strace $0x90000046  }
0xb2: {  	s29 =	simm.s32 $0x9;
	_ =	strace $0x80000048  }
0xb3: {  	_ =	swait.ge [sflag:s29], $0x1  }
0xb4: {  	[sflag:s29] =	ssyncadd.s32 $0xFFFFFFFF  }
0xb5: {  	_ =	strace $0x90000048  }
0xb6: {  	_ =	sfence  }
0xb7: {  	s30 =	sld [smem:$0x0];
	_ =	sdelay $0x2  }
0xb8: {  	s31 =	sshll.u32 s1, $0xD;
	s1 =	sshrl.u32 s1, $0x2  }
0xb9: {  	s3 =	sand.u32 $0x4000, s31;
	s1 =	sadd.s32 s1, s30  }
0xba: {  	s0 =	sor.u32 s3, s0;
	s1 =	sshll.u32 s1, $0x11  }
0xbb: {  	s0 =	sor.u32 s1, s0  }
0xbc: {  	s0 =	sadd.s32 $0x8F2B, s0  }
0xbd: {  	[sflag:s0] =	ssyncadd.remote.s32 $0x1  }
0xbe: {  	_ =	sfence.sel $0xFFFF  }
0xbf: {  	[dreg:$0x0] =	wrdreg $0xFFFFFFFF;
	(pc) =	sbr.abs _section_cstart, $3  }
0xc0: {  	[dreg:$0x1] =	wrdreg $0xFFFFFFFF  }
0xc1: {  	_ =	task.clear_ibuf [dreg:s7], $0x2FFFF;
	_ =	strace $0x9FFFFFFF  }
0xc2: {  	(tm) =	ssettm $0x7FFFFFFF  }
0xc3: {  	_ =	shalt  }
tec
execute0_lowered:
.L_overlay_start_1:
0x0: {  	(tag) =	ssettag $0x1  }
0x1: {  	s0 =	srdreg.scid  }
0x2: {  	s1 =	sshll.u32 s0, $0x4  }
0x3: {  	s0 =	stileid.u32;
	s1 =	sand.u32 $0x10, s1  }
0x4: {  	s2 =	sor.u32 s0, s1  }
0x5: {  	s1 =	smin.u32 s2, $0x12  }
0x6: {  	s1 =	sadd.s32 s2, s1  }
0x7: {  	p0 =	slt.u32 s2, $0x12;
	s2 =	simm.s32 $0x320;
	s1 =	smul.u32 $0x190, s1  }
0x8: {  	s2 =	simm.s32 @!p0 $0x190  }
0x9: {  	s2 =	sadd.s32 s2, s1  }
0xa: {  	s3 =	smin.u32 s2, $0x4E20  }
0xb: {  	s7 =	ssub.s32 s3, s1  }
0xc: {  	p0 =	sgt.s32 s7, $0x0  }
0xd: {  	s7 =	simm.s32 @!p0 $0x0  }
0xe: {  	s31 =	sand.u32 $0xFFF0, s7  }
0xf: {  	s2 =	sshrl.u32 s31, $0x4  }
0x10: {  	s4 =	rddreg [dreg:$0x0];
	s2 =	smul.u32 $0xA3E, s2  }
0x11: {  	s5 =	rddreg [dreg:$0x1]  }
0x12: {  	s6 =	simm.s32 $0x1;
	s10 =	simm.s32 $0x3;
	s8 =	sshrl.u32 s2, $0x10  }
0x13: {  	s13 =	simm.s32 $0x0;
	s12 =	simm.s32 $0x0;
	s9 =	smul.u32 $0x190, s8  }
.Ltmp0:
0x14: {  	s11 =	smov.u32 s1;
	s2 =	rddreg [dreg:$0x2];
	(pc) =	sbr.rel .LBB2_1-.Ltmp0, $4  }
0x15: {  	_ =	strace $0x80000047;
	p0 =	sne.s32 s7, s9;
	s9 =	simm.s32 $0x1  }
0x16: {  	[sflag:s6] =	ssyncpa.u1 $0x0;
	s7 =	simm.s32 $0x2;
	s9 =	simm.s32 @!p0 $0x0  }
0x17: {  	[sflag:s7] =	ssyncpa.u1 $0x0;
	p0 =	por $0x0, $0x0;
	s8 =	sadd.s32 s8, s9  }
0x18: {  	vm0 =	vmmov $0xff;
	vm1 =	vcmask $0x3F20;
	s9 =	sadd.s32 $0x4E200, s4;
	[sflag:s10] =	ssyncpa.u1 $0x0;
	s10 =	sadd.s32 $0x1, s8  }
.LBB2_6:
0x19: {  	[hbm:s17] =	stream.linear.scatter [tilespmem:s14], [sflag:$0x3], $0x400, $0x38;
	[tilespmem:$0x19320] =	vst v63  }
.LBB2_7:
0x1a: {  	s13 =	sadd.s32 $0x190, s11  }
0x1b: {  	s15 =	smov.u32 s1;
	p2 =	slt.s32 s13, s3  }
0x1c: {  	s15 =	smov.u32 @p2 s13;
	p2 =	sne.s32 s12, s10  }
.Ltmp1:
0x1d: {  	p1 =	slt.u32 s12, $0x2;
	(pc) =	sbr.rel @!p2 .LBB2_8-.Ltmp1, $4  }
0x1e: {  	s14 =	simm.s32 @!p1 $0x3  }
0x1f: {  	s16 =	sadd.s32 $0x1, s12;
	_ =	swait.ge @!p1 [sflag:s14], $0xC800  }
0x20: {  	p0 =	por !p0, !p0;
	s13 =	smov.u32 s11;
	[sflag:s14] =	ssyncset.done @!p1 $0x0  }
0x21: {  	s12 =	smov.u32 s16;
	s11 =	smov.u32 s15;
	[sflag:s14] =	ssyncadd.s32 @!p1 $0xFFFF3800  }
.LBB2_1:
0x22: {  	p1 =	sge.u32 s12, s8  }
0x23: {  	s14 =	sxor.u32 @!p1 $0xFFFFFFFF, s12  }
0x24: {  	s14 =	sand.u32 @!p1 $0x1, s14  }
0x25: {  	s14 =	smul.u32 @!p1 $0x640, s14  }
0x26: {  	s31 =	sadd.s32 $0xFFFFFFFF, s12;
	s15 =	sshrl.u32 @!p1 s11, $0x3  }
0x27: {  	s16 =	sand.u32 @!p1 $0x7, s11;
	s15 =	sadd.s32 @!p1 s5, s15;
	s14 =	sshrl.u32 @!p1 s14, $0x2  }
0x28: {  	[tilespmem:s14], [sflag:$0x2] =	stream.linear.gather @!p1 [hbm4b:s15+s16], $0x190, $0x38;
	[tilespmem:$0x19320] =	vst v63  }
0x29: {  	p1 =	sge.u32 s31, s8  }
.Ltmp2:
0x2a: {  	_ = 	snop;
	(pc) =	sbr.rel @p1 .LBB2_7-.Ltmp2, $1  }
0x2b: {  	_ =	sdelay $0x3  }
0x2c: {  	s14 =	simm.s32 $0x1  }
0x2d: {  	s14 =	simm.s32 @!p0 $0x0  }
0x2e: {  	s15 =	smul.u32 $0x640, s14  }
0x2f: {  	_ =	swait.ge [sflag:s7], $0x190  }
0x30: {  	[sflag:s7] =	ssyncset.done $0x0;
	s16 =	sshrl.u32 s15, $0x2  }
0x31: {  	[sflag:s7] =	ssyncadd.s32 $0xFFFFFE70;
	s15 =	sadd.s32 $0x0, s16  }
0x32: {  	v0 =	vld.msk [tilespmem:s15+$0x0 ss:$0x1], $0xffff;
	_ =	sdelay $0x4  }
0x33: {  	vm2 =	vgt.s32 v0, $0x0  }
0x34: {  	v0 =	vnsel vm2, $0x0, v0  }
0x35: {  	v0 =	vmin.u32 v0, $0x4E1F  }
0x36: {  	v0 =	vshll.u32 v0, $0x4  }
0x37: {  	s14 =	smul.u32 $0x32000, s14;
	_ =	sdelay $0x1  }
0x38: {  	s14 =	sshrl.u32 s14, $0x2  }
0x39: {  	s14 =	sor.u32 $0x320, s14  }
0x3a: {  	[tilespmem:s14], [sflag:$0x1] =	stream.indirect_vreg.gather [hbm:s4], $0x80, v0, vm0, $0x38;
	[tilespmem:$0x19320] =	vst v63  }
0x3b: {  	s17 =	sadd.s32 $0x10, s16;
	s15 =	sadd.s32 $0x400, s14  }
0x3c: {  	[tilespmem:s15], [sflag:$0x1] =	stream.indirect_vreg.gather [hbm:s4], $0x80, v0, vm1, $0x38;
	[tilespmem:$0x19320] =	vst v63  }
0x3d: {  	s18 =	simm.s32 $0x80;
	v0 =	vld.msk [tilespmem:s17+$0x0 ss:$0x1], $0xffff;
	s17 =	smov.u32 s14  }
.LBB2_3:
0x3e: {  	p1 =	sne.s32 s18, $0x600;
	_ =	sdelay $0x4  }
0x3f: {  	vm2 =	vgt.s32 v0, $0x0  }
0x40: {  	v0 =	vnsel vm2, $0x0, v0  }
0x41: {  	v0 =	vmin.u32 v0, $0x4E1F  }
0x42: {  	v0 =	vshll.u32 v0, $0x4;
	_ =	sdelay $0x3  }
.Ltmp3:
0x43: {  	s19 =	sshra.s32 s18, $0x2;
	s17 =	sadd.s32 $0x800, s17;
	(pc) =	sbr.rel @p1 .LBB2_3-.Ltmp3, $4  }
0x44: {  	[tilespmem:s17], [sflag:$0x1] =	stream.indirect_vreg.gather [hbm:s4], $0x80, v0, vm0, $0x38;
	[tilespmem:$0x19320] =	vst v63  }
0x45: {  	s19 =	sadd.s32 s19, s16;
	s20 =	sadd.s32 $0x400, s17  }
0x46: {  	[tilespmem:s20], [sflag:$0x1] =	stream.indirect_vreg.gather [hbm:s4], $0x80, v0, vm1, $0x38;
	[tilespmem:$0x19320] =	vst v63  }
0x47: {  	s18 =	sadd.s32 $0x40, s18;
	v0 =	vld.msk [tilespmem:s19+$0x0 ss:$0x1], $0xffff  }
0x48: {  	_ =	sdelay $0x3  }
0x49: {  	vm2 =	vgt.s32 v0, $0x0  }
0x4a: {  	v0 =	vnsel vm2, $0x0, v0  }
0x4b: {  	v0 =	vmin.u32 v0, $0x4E1F  }
0x4c: {  	v0 =	vshll.u32 v0, $0x4;
	_ =	sdelay $0x3  }
0x4d: {  	s16 =	sadd.s32 $0x800, s17  }
0x4e: {  	[tilespmem:s16], [sflag:$0x1] =	stream.indirect_vreg.gather [hbm:s4], $0x80, v0, vm0, $0x38;
	[tilespmem:$0x19320] =	vst v63  }
0x4f: {  	s16 =	sadd.s32 $0x400, s16  }
0x50: {  	[tilespmem:s16], [sflag:$0x1] =	stream.indirect_vreg.gather [hbm:s4], $0x80, v0, vm1, $0x38;
	[tilespmem:$0x19320] =	vst v63  }
0x51: {  	s13 =	sshll.u32 s13, $0x4;
	_ =	swait.ge [sflag:s6], $0xC800  }
0x52: {  	s13 =	sadd.s32 s13, s9;
	[sflag:s6] =	ssyncset.done $0x0  }
0x53: {  	s17 =	sadd.s32 $0x0, s13;
	s16 =	simm.s32 $0x80;
	[sflag:s6] =	ssyncadd.s32 $0xFFFF3800  }
.LBB2_5:
0x54: {  	[hbm:s17] =	stream.linear.scatter [tilespmem:s14], [sflag:$0x3], $0x400, $0x38;
	[tilespmem:$0x19320] =	vst v63  }
0x55: {  	s17 =	smov.u32 s16;
	s14 =	smov.u32 s15;
	p1 =	sne.s32 s16, $0x1880  }
.Ltmp4:
0x56: {  	s16 =	sadd.s32 $0x80, s16;
	(pc) =	sbr.rel @p1 .LBB2_5-.Ltmp4, $2  }
0x57: {  	_ =	sdelay $0x2  }
0x58: {  	s15 =	sadd.s32 $0x400, s15;
	s17 =	sadd.s32 s17, s13  }
.Ltmp5:
0x59: {  	_ = 	snop;
	(pc) =	sbr.rel .LBB2_6-.Ltmp5, $1  }
0x5a: {  	_ =	sdelay $0x3  }
.LBB2_8:
0x5b: {  	_ =	sfence.sel $0x180000  }
0x5c: {  	s1 =	simm.s32 $0x2;
	[bflag:$0x0] =	sbarrier.arrive $0xFFFF  }
0x5d: {  	s30 =	simm.s32 $0x3;
	[sflag:s1] =	ssyncpa.u1 $0x1  }
0x5e: {  	s31 =	simm.s32 $0x1;
	[sflag:s30] =	ssyncpa.u1 $0x1  }
0x5f: {  	[sflag:s31] =	ssyncpa.u1 $0x1  }
0x60: {  	p0 =	sne.s32 s0, $0x0;
	_ =	strace $0x90000047  }
0x61: {  	s0 =	sadd.s32 @!p0 $0x100000, s2;
	[bflag:$0x2] =	sbarrier.arrive $0xFFFF  }
0x62: {  	[sflag:s0] =	ssyncadd.tile.s32 @!p0 $0x1;
	_ =	shalt  }
.Lfunc_end2:
_tile_overlayer_lowered:
.L_overlay_start_2:
0x63: {  	(tag) =	ssettag $0x2  }
0x64: {  	s0 =	rddreg [dreg:$0x0];
	s2 =	stileid.u32  }
0x65: {  	s1 =	rddreg [dreg:$0x1];
	p0 =	sne.s32 s2, $0x0  }
0x66: {  	s3 =	rddreg [dreg:$0x2];
	[bflag:$0x3] =	sbarrier.arrive $0xFFFF;
	s2 =	simm.s32 @!p0 $0x1C01  }
0x67: {  	[timem:s3], [sflag:s2] =	dma.local @!p0 [hbm:s0], s1  }
0x68: {  	s0 =	simm.s32 @!p0 $0x1  }
0x69: {  	_ =	swait.ge @!p0 [sflag:s0], s1  }
0x6a: {  	s1 =	ssub.s32 @!p0 $0x0, s1;
	[sflag:s0] =	ssyncset.done @!p0 $0x0  }
0x6b: {  	[sflag:s0] =	ssyncadd.s32 @!p0 s1  }
0x6c: {  	[bflag:$0x3] =	sbarrier.arrive $0xFFFF  }
0x6d: {  	_ =	shalt  }

</sc_bundles>
